<compile_context>
chip_gen: v7x
topology: tpu7x:2x2x1
jax: 0.10.2.dev20260603
libtpu: 0.0.44.dev20260713+nightly
codegen_flags: <defaults>
</compile_context>

<pallas_src>
import functools

import jax
import jax.numpy as jnp
from jax import lax
from jax.experimental import pallas as pl
from jax.experimental.pallas import tpu as pltpu
from jax.experimental.pallas import tpu_sc as plsc

N = 5000
L = 24
D = 256
MAX_DIST = 0.3
MAX_GAP = 10
IOU_T = 0.5

TR = 200
NP = 5120
CC = 512

NW = 32
RPW = 160
KB = 16


def _tc_body(scal_ref, boxes_ref, bT_ref, fidx_ref, mask_ref, b23_ref, qp_ref,
             upd_out, s23_out, fidx_out, mask_out, accum_out):
    bx = boxes_ref[...]
    cxr, cyr, wr, hr = bx[:, 0:1], bx[:, 1:2], bx[:, 2:3], bx[:, 3:4]
    x1r = cxr - 0.5 * wr
    y1r = cyr - 0.5 * hr
    x2r = cxr + 0.5 * wr
    y2r = cyr + 0.5 * hr
    area_r = (x2r - x1r) * (y2r - y1r)

    acc = jnp.full((TR, CC), -jnp.inf, dtype=jnp.float32)
    for c in range(NP // CC):
        sl = pl.ds(c * CC, CC)
        cxc = bT_ref[0:1, sl]
        cyc = bT_ref[1:2, sl]
        wc = bT_ref[2:3, sl]
        hc = bT_ref[3:4, sl]
        x1c = cxc - 0.5 * wc
        y1c = cyc - 0.5 * hc
        x2c = cxc + 0.5 * wc
        y2c = cyc + 0.5 * hc
        area_c = (x2c - x1c) * (y2c - y1c)
        ltx = jnp.maximum(x1r, x1c)
        lty = jnp.maximum(y1r, y1c)
        rbx = jnp.minimum(x2r, x2c)
        rby = jnp.minimum(y2r, y2c)
        inter = jnp.maximum(rbx - ltx, 0.0) * (rby - lty)
        score = 3.0 * inter - (area_r + area_c)
        occm = y2c < y2r
        score = jnp.where(occm, score, -jnp.inf)
        acc = jnp.maximum(acc, score)
    occluded = jnp.max(acc, axis=1, keepdims=True) > 0.0

    sc = scal_ref[...]
    f = sc[:, 0:1]
    dist = sc[:, 1:2]
    score_q = sc[:, 2:3]
    fr = fidx_ref[...]
    last = fr[:, L - 1:L].astype(jnp.float32)
    upd = ((f - last > MAX_GAP) | (dist > MAX_DIST)) & (~occluded) & (score_q > 0.8)

    upd_out[...] = upd.astype(jnp.int32)
    accum_out[...] = jnp.where(upd, 0.0, dist)

    new_f = jnp.concatenate([fr[:, 1:], f.astype(jnp.int32)], axis=1)
    fidx_out[...] = jnp.where(upd, new_f, fr)

    mr = mask_ref[...].astype(jnp.int32)
    new_m = jnp.concatenate([mr[:, 1:], jnp.zeros((TR, 1), jnp.int32)], axis=1)
    mask_out[...] = jnp.where(upd, new_m, mr).astype(jnp.uint8)

    b23 = b23_ref[...]
    qp = qp_ref[...]
    s23_out[...] = jnp.where(upd, qp, b23)


def _tc_stage(scal, pred_boxes, bT, mem_frames_idx, mask_u8, bank23, query_pos):
    f32 = jnp.float32
    grid = (N // TR,)
    return pl.pallas_call(
        _tc_body,
        grid=grid,
        in_specs=[
            pl.BlockSpec((TR, 4), lambda i: (i, 0)),
            pl.BlockSpec((TR, 4), lambda i: (i, 0)),
            pl.BlockSpec((8, NP), lambda i: (0, 0)),
            pl.BlockSpec((TR, L), lambda i: (i, 0)),
            pl.BlockSpec((TR, L), lambda i: (i, 0)),
            pl.BlockSpec((TR, D), lambda i: (i, 0)),
            pl.BlockSpec((TR, D), lambda i: (i, 0)),
        ],
        out_specs=[
            pl.BlockSpec((TR, 1), lambda i: (i, 0)),
            pl.BlockSpec((TR, D), lambda i: (i, 0)),
            pl.BlockSpec((TR, L), lambda i: (i, 0)),
            pl.BlockSpec((TR, L), lambda i: (i, 0)),
            pl.BlockSpec((TR, 1), lambda i: (i, 0)),
        ],
        out_shape=[
            jax.ShapeDtypeStruct((N, 1), jnp.int32),
            jax.ShapeDtypeStruct((N, D), f32),
            jax.ShapeDtypeStruct((N, L), jnp.int32),
            jax.ShapeDtypeStruct((N, L), jnp.uint8),
            jax.ShapeDtypeStruct((N, 1), f32),
        ],
        compiler_params=pltpu.CompilerParams(
            dimension_semantics=("parallel",)),
    )(scal, pred_boxes, bT, mem_frames_idx, mask_u8, bank23, query_pos)


@functools.partial(
    pl.kernel,
    out_type=jax.ShapeDtypeStruct((N * L, D), jnp.float32),
    mesh=plsc.VectorSubcoreMesh(core_axis_name="c", subcore_axis_name="s"),
    compiler_params=pltpu.CompilerParams(use_tc_tiling_on_sc=False),
    scratch_types=[
        pltpu.VMEM((RPW,), jnp.int32),
        pltpu.SemaphoreType.DMA,
        pltpu.SemaphoreType.DMA,
    ],
)
def _sc_apply(upd_hbm, bank_hbm, s23_hbm, out_hbm, upd_v, sem_a, sem_b):
    wid = lax.axis_index("s") * 2 + lax.axis_index("c")
    base = jnp.minimum(wid * RPW, N - RPW)
    pltpu.sync_copy(upd_hbm.at[pl.ds(base, RPW)], upd_v)

    def batch(b, _):
        vec = upd_v[pl.ds(b * KB, KB)]
        handles = []
        for j in range(KB):
            i = b * KB + j
            s = vec[j]
            r0 = (base + i) * L
            h1 = pltpu.async_copy(bank_hbm.at[pl.ds(r0 + s, L - 1)],
                                  out_hbm.at[pl.ds(r0, L - 1)], sem_a)
            h2 = pltpu.async_copy(s23_hbm.at[pl.ds(base + i, 1)],
                                  out_hbm.at[pl.ds(r0 + L - 1, 1)], sem_b)
            handles.append((h1, h2))
        for h1, h2 in handles:
            h1.wait()
            h2.wait()
        return 0

    lax.fori_loop(0, RPW // KB, batch, 0)


def kernel(frame_idx, mem_frames_idx, accum_dist, pred_boxes, scores, mem_bank,
           mem_padding_mask, query_pos):
    f32 = jnp.float32
    scal = jnp.stack(
        [frame_idx.astype(f32), accum_dist, scores,
         jnp.zeros_like(accum_dist)], axis=1)
    bT = jnp.zeros((8, NP), f32).at[0:4, 0:N].set(pred_boxes.T)
    mask_u8 = mem_padding_mask.view(jnp.uint8)

    upd, s23, fidx_out, mask_out, accum_out = _tc_stage(
        scal, pred_boxes, bT, mem_frames_idx, mask_u8, mem_bank[:, L - 1, :],
        query_pos)

    bank_flat = mem_bank.reshape(N * L, D)
    bank_out = _sc_apply(upd.reshape(N), bank_flat, s23)

    return (bank_out.reshape(N, L, D), fidx_out, mask_out.view(jnp.bool_),
            accum_out.reshape(N))

# --- scband reference (transcript-rebuilt; emitter-appended) ---
"""Pipeline reference for scband-sparseness-aware-memory-module-60507499266862 (READ-ONLY COPY).

The authoritative reference and input builder live on the scoring server;
editing this copy changes nothing except your own understanding.
"""

import jax, jax.numpy as jnp
import numpy as np

N = 5000
L = 24
D = 256
MAX_DIST = 0.3
MAX_GAP = 10
IOU_T = 0.5


def box_cxcywh_to_xyxy(b):
    cx, cy, w, h = b[:, 0], b[:, 1], b[:, 2], b[:, 3]
    return jnp.stack([cx - 0.5 * w, cy - 0.5 * h, cx + 0.5 * w, cy + 0.5 * h], axis=-1)


def box_iou(a, b):
    area_a = (a[:, 2] - a[:, 0]) * (a[:, 3] - a[:, 1])
    area_b = (b[:, 2] - b[:, 0]) * (b[:, 3] - b[:, 1])
    lt = jnp.maximum(a[:, None, :2], b[None, :, :2])
    rb = jnp.minimum(a[:, None, 2:], b[None, :, 2:])
    wh = jnp.clip(rb - lt, 0.0, None)
    inter = wh[..., 0] * wh[..., 1]
    union = area_a[:, None] + area_b[None, :] - inter
    return inter / jnp.maximum(union, 1e-9)


def setup_inputs(seed: int = 0) -> dict:
    key = jax.random.key(seed)
    ks = [jax.random.fold_in(key, i) for i in range(8)]
    frame_idx = jax.random.randint(ks[0], (N,), 0, 2000)
    mem_frames_idx = jnp.sort(jax.random.randint(ks[1], (N, L), 0, 1000), axis=-1)
    accum_dist = jax.random.uniform(ks[2], (N,), dtype=jnp.float32)
    pred_boxes = jax.random.uniform(ks[3], (N, 4), dtype=jnp.float32)
    scores = jax.random.uniform(ks[4], (N,), dtype=jnp.float32)
    mem_bank = jax.random.normal(ks[5], (N, L, D), dtype=jnp.float32)
    mem_padding_mask = jax.random.randint(ks[6], (N, L), 0, 2).astype(bool)
    query_pos = jax.random.normal(ks[7], (N, D), dtype=jnp.float32)
    return {
        'frame_idx': frame_idx,
        'mem_frames_idx': mem_frames_idx,
        'accum_dist': accum_dist,
        'pred_boxes': pred_boxes,
        'scores': scores,
        'mem_bank': mem_bank,
        'mem_padding_mask': mem_padding_mask,
        'query_pos': query_pos,
    }


def reference(frame_idx, mem_frames_idx, accum_dist, pred_boxes, scores, mem_bank, mem_padding_mask, query_pos):
    n = frame_idx.shape[0]
    frame_gaps = frame_idx - mem_frames_idx[:, -1]
    is_update = (frame_gaps > MAX_GAP) | (accum_dist > MAX_DIST)
    pb = jax.lax.stop_gradient(pred_boxes)
    pb = box_cxcywh_to_xyxy(pb)
    mask_matrix = pb[:, 3][None, :] < pb[:, 3][:, None]
    ious = box_iou(pb, pb)
    ious = ious * mask_matrix
    ious = ious.at[jnp.arange(n), jnp.arange(n)].set(0.0)
    ious = ious.max(axis=-1)
    is_occluded = ious > IOU_T
    is_update = is_update & (~is_occluded)
    is_pos = scores > 0.8
    is_update = is_update & is_pos
    accum_dist_out = jnp.where(is_update, jnp.zeros_like(accum_dist), accum_dist)
    new_fidx = jnp.concatenate([mem_frames_idx[:, 1:], frame_idx[:, None]], axis=1)
    new_bank = jnp.concatenate([mem_bank[:, 1:], query_pos[:, None, :]], axis=1)
    new_mask = jnp.concatenate([mem_padding_mask[:, 1:], jnp.zeros_like(mem_padding_mask[:, :1])], axis=1)
    mem_frames_idx_out = jnp.where(is_update[:, None], new_fidx, mem_frames_idx)
    mem_bank_out = jnp.where(is_update[:, None, None], new_bank, mem_bank)
    mem_padding_mask_out = jnp.where(is_update[:, None], new_mask, mem_padding_mask)
    return mem_bank_out, mem_frames_idx_out, mem_padding_mask_out, accum_dist_out

if __name__ == "__main__":
    import jax
    _d = setup_inputs()
    print(jax.jit(kernel)(*tuple(_d.values())))

</pallas_src>

<mosaic_0001>
#map = affine_map<(d0, d1) -> (0)>
#map1 = affine_map<(d0, d1) -> (0, 0)>
module attributes {stable_mosaic.version = 14 : i64} {
  func.func @_sc_apply(%arg0: i32, %arg1: i32, %arg2: memref<5000xi32, #tpu.memory_space<hbm>>, %arg3: memref<120000x256xf32, #tpu.memory_space<hbm>>, %arg4: memref<5000x256xf32, #tpu.memory_space<hbm>>, %arg5: memref<120000x256xf32, #tpu.memory_space<hbm>>, %arg6: memref<160xi32, #tpu.memory_space<vmem>>, %arg7: memref<!tpu.dma_semaphore, #tpu.memory_space<semaphore_mem>>, %arg8: memref<!tpu.dma_semaphore, #tpu.memory_space<semaphore_mem>>) attributes {dimension_semantics = [#tpu.dimension_semantics<core_parallel>, #tpu.dimension_semantics<subcore_parallel>], iteration_bounds = array<i64: 2, 16>, scalar_prefetch = 0 : i64, scratch_operands = 3 : i64, tpu.core_type = #tpu.core_type<sc_vector_subcore>, window_params = [{transform_indices = #map}, {transform_indices = #map1}, {transform_indices = #map1}, {transform_indices = #map1}]} {
    %mul3A = arith.constant 2 : i32
    %mul3A_0 = arith.muli %arg1, %mul3A : i32
    %add3A = arith.addi %mul3A_0, %arg0 : i32
    %mul3A_1 = arith.constant 160 : i32
    %mul3A_2 = arith.muli %add3A, %mul3A_1 : i32
    %min3A = arith.constant 4840 : i32
    %min3A_3 = arith.minsi %mul3A_2, %min3A : i32
    "tpu.region"() ({
      %run_scoped3A = tpu.sem_alloc : memref<!tpu.dma_semaphore, #tpu.memory_space<semaphore_mem>>
      %dma_start3A = tpu.memref_slice %arg2[%min3A_3] : memref<5000xi32, #tpu.memory_space<hbm>> -> memref<160xi32, #tpu.memory_space<hbm>>
      %dma_start3A_10 = tpu.memref_slice %arg2[%min3A_3] : memref<5000xi32, #tpu.memory_space<hbm>> -> memref<160xi32, #tpu.memory_space<hbm>>
      tpu.enqueue_dma source(%dma_start3A_10 : memref<160xi32, #tpu.memory_space<hbm>>) target(%arg6 : memref<160xi32, #tpu.memory_space<vmem>>) target_semaphore(%run_scoped3A : memref<!tpu.dma_semaphore, #tpu.memory_space<semaphore_mem>>)
      %dma_wait3A = tpu.memref_slice %arg2[%min3A_3] : memref<5000xi32, #tpu.memory_space<hbm>> -> memref<160xi32, #tpu.memory_space<hbm>>
      %dma_wait3A_11 = tpu.memref_slice %arg2[%min3A_3] : memref<5000xi32, #tpu.memory_space<hbm>> -> memref<160xi32, #tpu.memory_space<hbm>>
      tpu.wait_dma2 semaphore(%run_scoped3A : memref<!tpu.dma_semaphore, #tpu.memory_space<semaphore_mem>>) src(%dma_wait3A_11 : memref<160xi32, #tpu.memory_space<hbm>>) dst(%arg6 : memref<160xi32, #tpu.memory_space<vmem>>)
      tpu.yield
    }) : () -> ()
    %scan3A = arith.constant 0 : i32
    %scan3A_4 = arith.constant 0 : i32
    %scan3A_5 = arith.constant 10 : i32
    %scan3A_6 = arith.addi %scan3A_4, %scan3A_5 : i32
    %scan3A_7 = arith.constant 1 : i32
    %scan3A_8 = scf.for %scan3A_10 = %scan3A_4 to %scan3A_6 step %scan3A_7 iter_args(%scan3A_11 = %scan3A) -> (i32)  : i32 {
      %mul3A_12 = arith.constant 16 : i32
      %mul3A_13 = arith.muli %scan3A_10, %mul3A_12 : i32
      %get3A = arith.index_cast %mul3A_13 : i32 to index
      %get3A_14 = tpu.vector_load %arg6[%get3A] {strides = array<i32>} : memref<160xi32, #tpu.memory_space<vmem>>, vector<16xi32>,
      %get3A_15 = vector.shape_cast %get3A_14 : vector<16xi32> to vector<16xi32>
      %mul3A_16 = arith.constant 16 : i32
      %mul3A_17 = arith.muli %scan3A_10, %mul3A_16 : i32
      %add3A_18 = arith.constant 0 : i32
      %add3A_19 = arith.addi %mul3A_17, %add3A_18 : i32
      %slice3A = vector.extract_strided_slice %get3A_15 {offsets = [0], sizes = [1], strides = [1]} : vector<16xi32> to vector<1xi32>
      %squeeze3A = vector.extract %slice3A[0] : i32 from vector<1xi32>
      %add3A_20 = arith.addi %min3A_3, %add3A_19 : i32
      %mul3A_21 = arith.constant 24 : i32
      %mul3A_22 = arith.muli %add3A_20, %mul3A_21 : i32
      %add3A_23 = arith.addi %mul3A_22, %squeeze3A : i32
      %dma_start3A = arith.constant 0 : i32
      %dma_start3A_24 = tpu.memref_slice %arg5[%mul3A_22, %dma_start3A] : memref<120000x256xf32, #tpu.memory_space<hbm>> -> memref<23x256xf32, #tpu.memory_space<hbm>>
      %dma_start3A_25 = arith.constant 0 : i32
      %dma_start3A_26 = tpu.memref_slice %arg3[%add3A_23, %dma_start3A_25] : memref<120000x256xf32, #tpu.memory_space<hbm>> -> memref<23x256xf32, #tpu.memory_space<hbm>>
      tpu.enqueue_dma source(%dma_start3A_26 : memref<23x256xf32, #tpu.memory_space<hbm>>) target(%dma_start3A_24 : memref<23x256xf32, #tpu.memory_space<hbm>>) target_semaphore(%arg7 : memref<!tpu.dma_semaphore, #tpu.memory_space<semaphore_mem>>)
      %add3A_27 = arith.addi %min3A_3, %add3A_19 : i32
      %add3A_28 = arith.constant 24 : i32
      %add3A_29 = arith.addi %mul3A_22, %add3A_28 : i32
      %sub3A = arith.constant 1 : i32
      %sub3A_30 = arith.subi %add3A_29, %sub3A : i32
      %dma_start3A_31 = arith.constant 0 : i32
      %dma_start3A_32 = tpu.memref_slice %arg5[%sub3A_30, %dma_start3A_31] : memref<120000x256xf32, #tpu.memory_space<hbm>> -> memref<1x256xf32, #tpu.memory_space<hbm>>
      %dma_start3A_33 = arith.constant 0 : i32
      %dma_start3A_34 = tpu.memref_slice %arg4[%add3A_27, %dma_start3A_33] : memref<5000x256xf32, #tpu.memory_space<hbm>> -> memref<1x256xf32, #tpu.memory_space<hbm>>
      tpu.enqueue_dma source(%dma_start3A_34 : memref<1x256xf32, #tpu.memory_space<hbm>>) target(%dma_start3A_32 : memref<1x256xf32, #tpu.memory_space<hbm>>) target_semaphore(%arg8 : memref<!tpu.dma_semaphore, #tpu.memory_space<semaphore_mem>>)
      %mul3A_35 = arith.constant 16 : i32
      %mul3A_36 = arith.muli %scan3A_10, %mul3A_35 : i32
      %add3A_37 = arith.constant 1 : i32
      %add3A_38 = arith.addi %mul3A_36, %add3A_37 : i32
      %slice3A_39 = vector.extract_strided_slice %get3A_15 {offsets = [1], sizes = [1], strides = [1]} : vector<16xi32> to vector<1xi32>
      %squeeze3A_40 = vector.extract %slice3A_39[0] : i32 from vector<1xi32>
      %add3A_41 = arith.addi %min3A_3, %add3A_38 : i32
      %mul3A_42 = arith.constant 24 : i32
      %mul3A_43 = arith.muli %add3A_41, %mul3A_42 : i32
      %add3A_44 = arith.addi %mul3A_43, %squeeze3A_40 : i32
      %dma_start3A_45 = arith.constant 0 : i32
      %dma_start3A_46 = tpu.memref_slice %arg5[%mul3A_43, %dma_start3A_45] : memref<120000x256xf32, #tpu.memory_space<hbm>> -> memref<23x256xf32, #tpu.memory_space<hbm>>
      %dma_start3A_47 = arith.constant 0 : i32
      %dma_start3A_48 = tpu.memref_slice %arg3[%add3A_44, %dma_start3A_47] : memref<120000x256xf32, #tpu.memory_space<hbm>> -> memref<23x256xf32, #tpu.memory_space<hbm>>
      tpu.enqueue_dma source(%dma_start3A_48 : memref<23x256xf32, #tpu.memory_space<hbm>>) target(%dma_start3A_46 : memref<23x256xf32, #tpu.memory_space<hbm>>) target_semaphore(%arg7 : memref<!tpu.dma_semaphore, #tpu.memory_space<semaphore_mem>>)
      %add3A_49 = arith.addi %min3A_3, %add3A_38 : i32
      %add3A_50 = arith.constant 24 : i32
      %add3A_51 = arith.addi %mul3A_43, %add3A_50 : i32
      %sub3A_52 = arith.constant 1 : i32
      %sub3A_53 = arith.subi %add3A_51, %sub3A_52 : i32
      %dma_start3A_54 = arith.constant 0 : i32
      %dma_start3A_55 = tpu.memref_slice %arg5[%sub3A_53, %dma_start3A_54] : memref<120000x256xf32, #tpu.memory_space<hbm>> -> memref<1x256xf32, #tpu.memory_space<hbm>>
      %dma_start3A_56 = arith.constant 0 : i32
      %dma_start3A_57 = tpu.memref_slice %arg4[%add3A_49, %dma_start3A_56] : memref<5000x256xf32, #tpu.memory_space<hbm>> -> memref<1x256xf32, #tpu.memory_space<hbm>>
      tpu.enqueue_dma source(%dma_start3A_57 : memref<1x256xf32, #tpu.memory_space<hbm>>) target(%dma_start3A_55 : memref<1x256xf32, #tpu.memory_space<hbm>>) target_semaphore(%arg8 : memref<!tpu.dma_semaphore, #tpu.memory_space<semaphore_mem>>)
      %mul3A_58 = arith.constant 16 : i32
      %mul3A_59 = arith.muli %scan3A_10, %mul3A_58 : i32
      %add3A_60 = arith.constant 2 : i32
      %add3A_61 = arith.addi %mul3A_59, %add3A_60 : i32
      %slice3A_62 = vector.extract_strided_slice %get3A_15 {offsets = [2], sizes = [1], strides = [1]} : vector<16xi32> to vector<1xi32>
      %squeeze3A_63 = vector.extract %slice3A_62[0] : i32 from vector<1xi32>
      %add3A_64 = arith.addi %min3A_3, %add3A_61 : i32
      %mul3A_65 = arith.constant 24 : i32
      %mul3A_66 = arith.muli %add3A_64, %mul3A_65 : i32
      %add3A_67 = arith.addi %mul3A_66, %squeeze3A_63 : i32
      %dma_start3A_68 = arith.constant 0 : i32
      %dma_start3A_69 = tpu.memref_slice %arg5[%mul3A_66, %dma_start3A_68] : memref<120000x256xf32, #tpu.memory_space<hbm>> -> memref<23x256xf32, #tpu.memory_space<hbm>>
      %dma_start3A_70 = arith.constant 0 : i32
      %dma_start3A_71 = tpu.memref_slice %arg3[%add3A_67, %dma_start3A_70] : memref<120000x256xf32, #tpu.memory_space<hbm>> -> memref<23x256xf32, #tpu.memory_space<hbm>>
      tpu.enqueue_dma source(%dma_start3A_71 : memref<23x256xf32, #tpu.memory_space<hbm>>) target(%dma_start3A_69 : memref<23x256xf32, #tpu.memory_space<hbm>>) target_semaphore(%arg7 : memref<!tpu.dma_semaphore, #tpu.memory_space<semaphore_mem>>)
      %add3A_72 = arith.addi %min3A_3, %add3A_61 : i32
      %add3A_73 = arith.constant 24 : i32
      %add3A_74 = arith.addi %mul3A_66, %add3A_73 : i32
      %sub3A_75 = arith.constant 1 : i32
      %sub3A_76 = arith.subi %add3A_74, %sub3A_75 : i32
      %dma_start3A_77 = arith.constant 0 : i32
      %dma_start3A_78 = tpu.memref_slice %arg5[%sub3A_76, %dma_start3A_77] : memref<120000x256xf32, #tpu.memory_space<hbm>> -> memref<1x256xf32, #tpu.memory_space<hbm>>
      %dma_start3A_79 = arith.constant 0 : i32
      %dma_start3A_80 = tpu.memref_slice %arg4[%add3A_72, %dma_start3A_79] : memref<5000x256xf32, #tpu.memory_space<hbm>> -> memref<1x256xf32, #tpu.memory_space<hbm>>
      tpu.enqueue_dma source(%dma_start3A_80 : memref<1x256xf32, #tpu.memory_space<hbm>>) target(%dma_start3A_78 : memref<1x256xf32, #tpu.memory_space<hbm>>) target_semaphore(%arg8 : memref<!tpu.dma_semaphore, #tpu.memory_space<semaphore_mem>>)
      %mul3A_81 = arith.constant 16 : i32
      %mul3A_82 = arith.muli %scan3A_10, %mul3A_81 : i32
      %add3A_83 = arith.constant 3 : i32
      %add3A_84 = arith.addi %mul3A_82, %add3A_83 : i32
      %slice3A_85 = vector.extract_strided_slice %get3A_15 {offsets = [3], sizes = [1], strides = [1]} : vector<16xi32> to vector<1xi32>
      %squeeze3A_86 = vector.extract %slice3A_85[0] : i32 from vector<1xi32>
      %add3A_87 = arith.addi %min3A_3, %add3A_84 : i32
      %mul3A_88 = arith.constant 24 : i32
      %mul3A_89 = arith.muli %add3A_87, %mul3A_88 : i32
      %add3A_90 = arith.addi %mul3A_89, %squeeze3A_86 : i32
      %dma_start3A_91 = arith.constant 0 : i32
      %dma_start3A_92 = tpu.memref_slice %arg5[%mul3A_89, %dma_start3A_91] : memref<120000x256xf32, #tpu.memory_space<hbm>> -> memref<23x256xf32, #tpu.memory_space<hbm>>
      %dma_start3A_93 = arith.constant 0 : i32
      %dma_start3A_94 = tpu.memref_slice %arg3[%add3A_90, %dma_start3A_93] : memref<120000x256xf32, #tpu.memory_space<hbm>> -> memref<23x256xf32, #tpu.memory_space<hbm>>
      tpu.enqueue_dma source(%dma_start3A_94 : memref<23x256xf32, #tpu.memory_space<hbm>>) target(%dma_start3A_92 : memref<23x256xf32, #tpu.memory_space<hbm>>) target_semaphore(%arg7 : memref<!tpu.dma_semaphore, #tpu.memory_space<semaphore_mem>>)
      %add3A_95 = arith.addi %min3A_3, %add3A_84 : i32
      %add3A_96 = arith.constant 24 : i32
      %add3A_97 = arith.addi %mul3A_89, %add3A_96 : i32
      %sub3A_98 = arith.constant 1 : i32
      %sub3A_99 = arith.subi %add3A_97, %sub3A_98 : i32
      %dma_start3A_100 = arith.constant 0 : i32
      %dma_start3A_101 = tpu.memref_slice %arg5[%sub3A_99, %dma_start3A_100] : memref<120000x256xf32, #tpu.memory_space<hbm>> -> memref<1x256xf32, #tpu.memory_space<hbm>>
      %dma_start3A_102 = arith.constant 0 : i32
      %dma_start3A_103 = tpu.memref_slice %arg4[%add3A_95, %dma_start3A_102] : memref<5000x256xf32, #tpu.memory_space<hbm>> -> memref<1x256xf32, #tpu.memory_space<hbm>>
      tpu.enqueue_dma source(%dma_start3A_103 : memref<1x256xf32, #tpu.memory_space<hbm>>) target(%dma_start3A_101 : memref<1x256xf32, #tpu.memory_space<hbm>>) target_semaphore(%arg8 : memref<!tpu.dma_semaphore, #tpu.memory_space<semaphore_mem>>)
      %mul3A_104 = arith.constant 16 : i32
      %mul3A_105 = arith.muli %scan3A_10, %mul3A_104 : i32
      %add3A_106 = arith.constant 4 : i32
      %add3A_107 = arith.addi %mul3A_105, %add3A_106 : i32
      %slice3A_108 = vector.extract_strided_slice %get3A_15 {offsets = [4], sizes = [1], strides = [1]} : vector<16xi32> to vector<1xi32>
      %squeeze3A_109 = vector.extract %slice3A_108[0] : i32 from vector<1xi32>
      %add3A_110 = arith.addi %min3A_3, %add3A_107 : i32
      %mul3A_111 = arith.constant 24 : i32
      %mul3A_112 = arith.muli %add3A_110, %mul3A_111 : i32
      %add3A_113 = arith.addi %mul3A_112, %squeeze3A_109 : i32
      %dma_start3A_114 = arith.constant 0 : i32
      %dma_start3A_115 = tpu.memref_slice %arg5[%mul3A_112, %dma_start3A_114] : memref<120000x256xf32, #tpu.memory_space<hbm>> -> memref<23x256xf32, #tpu.memory_space<hbm>>
      %dma_start3A_116 = arith.constant 0 : i32
      %dma_start3A_117 = tpu.memref_slice %arg3[%add3A_113, %dma_start3A_116] : memref<120000x256xf32, #tpu.memory_space<hbm>> -> memref<23x256xf32, #tpu.memory_space<hbm>>
      tpu.enqueue_dma source(%dma_start3A_117 : memref<23x256xf32, #tpu.memory_space<hbm>>) target(%dma_start3A_115 : memref<23x256xf32, #tpu.memory_space<hbm>>) target_semaphore(%arg7 : memref<!tpu.dma_semaphore, #tpu.memory_space<semaphore_mem>>)
      %add3A_118 = arith.addi %min3A_3, %add3A_107 : i32
      %add3A_119 = arith.constant 24 : i32
      %add3A_120 = arith.addi %mul3A_112, %add3A_119 : i32
      %sub3A_121 = arith.constant 1 : i32
      %sub3A_122 = arith.subi %add3A_120, %sub3A_121 : i32
      %dma_start3A_123 = arith.constant 0 : i32
      %dma_start3A_124 = tpu.memref_slice %arg5[%sub3A_122, %dma_start3A_123] : memref<120000x256xf32, #tpu.memory_space<hbm>> -> memref<1x256xf32, #tpu.memory_space<hbm>>
      %dma_start3A_125 = arith.constant 0 : i32
      %dma_start3A_126 = tpu.memref_slice %arg4[%add3A_118, %dma_start3A_125] : memref<5000x256xf32, #tpu.memory_space<hbm>> -> memref<1x256xf32, #tpu.memory_space<hbm>>
      tpu.enqueue_dma source(%dma_start3A_126 : memref<1x256xf32, #tpu.memory_space<hbm>>) target(%dma_start3A_124 : memref<1x256xf32, #tpu.memory_space<hbm>>) target_semaphore(%arg8 : memref<!tpu.dma_semaphore, #tpu.memory_space<semaphore_mem>>)
      %mul3A_127 = arith.constant 16 : i32
      %mul3A_128 = arith.muli %scan3A_10, %mul3A_127 : i32
      %add3A_129 = arith.constant 5 : i32
      %add3A_130 = arith.addi %mul3A_128, %add3A_129 : i32
      %slice3A_131 = vector.extract_strided_slice %get3A_15 {offsets = [5], sizes = [1], strides = [1]} : vector<16xi32> to vector<1xi32>
      %squeeze3A_132 = vector.extract %slice3A_131[0] : i32 from vector<1xi32>
      %add3A_133 = arith.addi %min3A_3, %add3A_130 : i32
      %mul3A_134 = arith.constant 24 : i32
      %mul3A_135 = arith.muli %add3A_133, %mul3A_134 : i32
      %add3A_136 = arith.addi %mul3A_135, %squeeze3A_132 : i32
      %dma_start3A_137 = arith.constant 0 : i32
      %dma_start3A_138 = tpu.memref_slice %arg5[%mul3A_135, %dma_start3A_137] : memref<120000x256xf32, #tpu.memory_space<hbm>> -> memref<23x256xf32, #tpu.memory_space<hbm>>
      %dma_start3A_139 = arith.constant 0 : i32
      %dma_start3A_140 = tpu.memref_slice %arg3[%add3A_136, %dma_start3A_139] : memref<120000x256xf32, #tpu.memory_space<hbm>> -> memref<23x256xf32, #tpu.memory_space<hbm>>
      tpu.enqueue_dma source(%dma_start3A_140 : memref<23x256xf32, #tpu.memory_space<hbm>>) target(%dma_start3A_138 : memref<23x256xf32, #tpu.memory_space<hbm>>) target_semaphore(%arg7 : memref<!tpu.dma_semaphore, #tpu.memory_space<semaphore_mem>>)
      %add3A_141 = arith.addi %min3A_3, %add3A_130 : i32
      %add3A_142 = arith.constant 24 : i32
      %add3A_143 = arith.addi %mul3A_135, %add3A_142 : i32
      %sub3A_144 = arith.constant 1 : i32
      %sub3A_145 = arith.subi %add3A_143, %sub3A_144 : i32
      %dma_start3A_146 = arith.constant 0 : i32
      %dma_start3A_147 = tpu.memref_slice %arg5[%sub3A_145, %dma_start3A_146] : memref<120000x256xf32, #tpu.memory_space<hbm>> -> memref<1x256xf32, #tpu.memory_space<hbm>>
      %dma_start3A_148 = arith.constant 0 : i32
      %dma_start3A_149 = tpu.memref_slice %arg4[%add3A_141, %dma_start3A_148] : memref<5000x256xf32, #tpu.memory_space<hbm>> -> memref<1x256xf32, #tpu.memory_space<hbm>>
      tpu.enqueue_dma source(%dma_start3A_149 : memref<1x256xf32, #tpu.memory_space<hbm>>) target(%dma_start3A_147 : memref<1x256xf32, #tpu.memory_space<hbm>>) target_semaphore(%arg8 : memref<!tpu.dma_semaphore, #tpu.memory_space<semaphore_mem>>)
      %mul3A_150 = arith.constant 16 : i32
      %mul3A_151 = arith.muli %scan3A_10, %mul3A_150 : i32
      %add3A_152 = arith.constant 6 : i32
      %add3A_153 = arith.addi %mul3A_151, %add3A_152 : i32
      %slice3A_154 = vector.extract_strided_slice %get3A_15 {offsets = [6], sizes = [1], strides = [1]} : vector<16xi32> to vector<1xi32>
      %squeeze3A_155 = vector.extract %slice3A_154[0] : i32 from vector<1xi32>
      %add3A_156 = arith.addi %min3A_3, %add3A_153 : i32
      %mul3A_157 = arith.constant 24 : i32
      %mul3A_158 = arith.muli %add3A_156, %mul3A_157 : i32
      %add3A_159 = arith.addi %mul3A_158, %squeeze3A_155 : i32
      %dma_start3A_160 = arith.constant 0 : i32
      %dma_start3A_161 = tpu.memref_slice %arg5[%mul3A_158, %dma_start3A_160] : memref<120000x256xf32, #tpu.memory_space<hbm>> -> memref<23x256xf32, #tpu.memory_space<hbm>>
      %dma_start3A_162 = arith.constant 0 : i32
      %dma_start3A_163 = tpu.memref_slice %arg3[%add3A_159, %dma_start3A_162] : memref<120000x256xf32, #tpu.memory_space<hbm>> -> memref<23x256xf32, #tpu.memory_space<hbm>>
      tpu.enqueue_dma source(%dma_start3A_163 : memref<23x256xf32, #tpu.memory_space<hbm>>) target(%dma_start3A_161 : memref<23x256xf32, #tpu.memory_space<hbm>>) target_semaphore(%arg7 : memref<!tpu.dma_semaphore, #tpu.memory_space<semaphore_mem>>)
      %add3A_164 = arith.addi %min3A_3, %add3A_153 : i32
      %add3A_165 = arith.constant 24 : i32
      %add3A_166 = arith.addi %mul3A_158, %add3A_165 : i32
      %sub3A_167 = arith.constant 1 : i32
      %sub3A_168 = arith.subi %add3A_166, %sub3A_167 : i32
      %dma_start3A_169 = arith.constant 0 : i32
      %dma_start3A_170 = tpu.memref_slice %arg5[%sub3A_168, %dma_start3A_169] : memref<120000x256xf32, #tpu.memory_space<hbm>> -> memref<1x256xf32, #tpu.memory_space<hbm>>
      %dma_start3A_171 = arith.constant 0 : i32
      %dma_start3A_172 = tpu.memref_slice %arg4[%add3A_164, %dma_start3A_171] : memref<5000x256xf32, #tpu.memory_space<hbm>> -> memref<1x256xf32, #tpu.memory_space<hbm>>
      tpu.enqueue_dma source(%dma_start3A_172 : memref<1x256xf32, #tpu.memory_space<hbm>>) target(%dma_start3A_170 : memref<1x256xf32, #tpu.memory_space<hbm>>) target_semaphore(%arg8 : memref<!tpu.dma_semaphore, #tpu.memory_space<semaphore_mem>>)
      %mul3A_173 = arith.constant 16 : i32
      %mul3A_174 = arith.muli %scan3A_10, %mul3A_173 : i32
      %add3A_175 = arith.constant 7 : i32
      %add3A_176 = arith.addi %mul3A_174, %add3A_175 : i32
      %slice3A_177 = vector.extract_strided_slice %get3A_15 {offsets = [7], sizes = [1], strides = [1]} : vector<16xi32> to vector<1xi32>
      %squeeze3A_178 = vector.extract %slice3A_177[0] : i32 from vector<1xi32>
      %add3A_179 = arith.addi %min3A_3, %add3A_176 : i32
      %mul3A_180 = arith.constant 24 : i32
      %mul3A_181 = arith.muli %add3A_179, %mul3A_180 : i32
      %add3A_182 = arith.addi %mul3A_181, %squeeze3A_178 : i32
      %dma_start3A_183 = arith.constant 0 : i32
      %dma_start3A_184 = tpu.memref_slice %arg5[%mul3A_181, %dma_start3A_183] : memref<120000x256xf32, #tpu.memory_space<hbm>> -> memref<23x256xf32, #tpu.memory_space<hbm>>
      %dma_start3A_185 = arith.constant 0 : i32
      %dma_start3A_186 = tpu.memref_slice %arg3[%add3A_182, %dma_start3A_185] : memref<120000x256xf32, #tpu.memory_space<hbm>> -> memref<23x256xf32, #tpu.memory_space<hbm>>
      tpu.enqueue_dma source(%dma_start3A_186 : memref<23x256xf32, #tpu.memory_space<hbm>>) target(%dma_start3A_184 : memref<23x256xf32, #tpu.memory_space<hbm>>) target_semaphore(%arg7 : memref<!tpu.dma_semaphore, #tpu.memory_space<semaphore_mem>>)
      %add3A_187 = arith.addi %min3A_3, %add3A_176 : i32
      %add3A_188 = arith.constant 24 : i32
      %add3A_189 = arith.addi %mul3A_181, %add3A_188 : i32
      %sub3A_190 = arith.constant 1 : i32
      %sub3A_191 = arith.subi %add3A_189, %sub3A_190 : i32
      %dma_start3A_192 = arith.constant 0 : i32
      %dma_start3A_193 = tpu.memref_slice %arg5[%sub3A_191, %dma_start3A_192] : memref<120000x256xf32, #tpu.memory_space<hbm>> -> memref<1x256xf32, #tpu.memory_space<hbm>>
      %dma_start3A_194 = arith.constant 0 : i32
      %dma_start3A_195 = tpu.memref_slice %arg4[%add3A_187, %dma_start3A_194] : memref<5000x256xf32, #tpu.memory_space<hbm>> -> memref<1x256xf32, #tpu.memory_space<hbm>>
      tpu.enqueue_dma source(%dma_start3A_195 : memref<1x256xf32, #tpu.memory_space<hbm>>) target(%dma_start3A_193 : memref<1x256xf32, #tpu.memory_space<hbm>>) target_semaphore(%arg8 : memref<!tpu.dma_semaphore, #tpu.memory_space<semaphore_mem>>)
      %mul3A_196 = arith.constant 16 : i32
      %mul3A_197 = arith.muli %scan3A_10, %mul3A_196 : i32
      %add3A_198 = arith.constant 8 : i32
      %add3A_199 = arith.addi %mul3A_197, %add3A_198 : i32
      %slice3A_200 = vector.extract_strided_slice %get3A_15 {offsets = [8], sizes = [1], strides = [1]} : vector<16xi32> to vector<1xi32>
      %squeeze3A_201 = vector.extract %slice3A_200[0] : i32 from vector<1xi32>
      %add3A_202 = arith.addi %min3A_3, %add3A_199 : i32
      %mul3A_203 = arith.constant 24 : i32
      %mul3A_204 = arith.muli %add3A_202, %mul3A_203 : i32
      %add3A_205 = arith.addi %mul3A_204, %squeeze3A_201 : i32
      %dma_start3A_206 = arith.constant 0 : i32
      %dma_start3A_207 = tpu.memref_slice %arg5[%mul3A_204, %dma_start3A_206] : memref<120000x256xf32, #tpu.memory_space<hbm>> -> memref<23x256xf32, #tpu.memory_space<hbm>>
      %dma_start3A_208 = arith.constant 0 : i32
      %dma_start3A_209 = tpu.memref_slice %arg3[%add3A_205, %dma_start3A_208] : memref<120000x256xf32, #tpu.memory_space<hbm>> -> memref<23x256xf32, #tpu.memory_space<hbm>>
      tpu.enqueue_dma source(%dma_start3A_209 : memref<23x256xf32, #tpu.memory_space<hbm>>) target(%dma_start3A_207 : memref<23x256xf32, #tpu.memory_space<hbm>>) target_semaphore(%arg7 : memref<!tpu.dma_semaphore, #tpu.memory_space<semaphore_mem>>)
      %add3A_210 = arith.addi %min3A_3, %add3A_199 : i32
      %add3A_211 = arith.constant 24 : i32
      %add3A_212 = arith.addi %mul3A_204, %add3A_211 : i32
      %sub3A_213 = arith.constant 1 : i32
      %sub3A_214 = arith.subi %add3A_212, %sub3A_213 : i32
      %dma_start3A_215 = arith.constant 0 : i32
      %dma_start3A_216 = tpu.memref_slice %arg5[%sub3A_214, %dma_start3A_215] : memref<120000x256xf32, #tpu.memory_space<hbm>> -> memref<1x256xf32, #tpu.memory_space<hbm>>
      %dma_start3A_217 = arith.constant 0 : i32
      %dma_start3A_218 = tpu.memref_slice %arg4[%add3A_210, %dma_start3A_217] : memref<5000x256xf32, #tpu.memory_space<hbm>> -> memref<1x256xf32, #tpu.memory_space<hbm>>
      tpu.enqueue_dma source(%dma_start3A_218 : memref<1x256xf32, #tpu.memory_space<hbm>>) target(%dma_start3A_216 : memref<1x256xf32, #tpu.memory_space<hbm>>) target_semaphore(%arg8 : memref<!tpu.dma_semaphore, #tpu.memory_space<semaphore_mem>>)
      %mul3A_219 = arith.constant 16 : i32
      %mul3A_220 = arith.muli %scan3A_10, %mul3A_219 : i32
      %add3A_221 = arith.constant 9 : i32
      %add3A_222 = arith.addi %mul3A_220, %add3A_221 : i32
      %slice3A_223 = vector.extract_strided_slice %get3A_15 {offsets = [9], sizes = [1], strides = [1]} : vector<16xi32> to vector<1xi32>
      %squeeze3A_224 = vector.extract %slice3A_223[0] : i32 from vector<1xi32>
      %add3A_225 = arith.addi %min3A_3, %add3A_222 : i32
      %mul3A_226 = arith.constant 24 : i32
      %mul3A_227 = arith.muli %add3A_225, %mul3A_226 : i32
      %add3A_228 = arith.addi %mul3A_227, %squeeze3A_224 : i32
      %dma_start3A_229 = arith.constant 0 : i32
      %dma_start3A_230 = tpu.memref_slice %arg5[%mul3A_227, %dma_start3A_229] : memref<120000x256xf32, #tpu.memory_space<hbm>> -> memref<23x256xf32, #tpu.memory_space<hbm>>
      %dma_start3A_231 = arith.constant 0 : i32
      %dma_start3A_232 = tpu.memref_slice %arg3[%add3A_228, %dma_start3A_231] : memref<120000x256xf32, #tpu.memory_space<hbm>> -> memref<23x256xf32, #tpu.memory_space<hbm>>
      tpu.enqueue_dma source(%dma_start3A_232 : memref<23x256xf32, #tpu.memory_space<hbm>>) target(%dma_start3A_230 : memref<23x256xf32, #tpu.memory_space<hbm>>) target_semaphore(%arg7 : memref<!tpu.dma_semaphore, #tpu.memory_space<semaphore_mem>>)
      %add3A_233 = arith.addi %min3A_3, %add3A_222 : i32
      %add3A_234 = arith.constant 24 : i32
      %add3A_235 = arith.addi %mul3A_227, %add3A_234 : i32
      %sub3A_236 = arith.constant 1 : i32
      %sub3A_237 = arith.subi %add3A_235, %sub3A_236 : i32
      %dma_start3A_238 = arith.constant 0 : i32
      %dma_start3A_239 = tpu.memref_slice %arg5[%sub3A_237, %dma_start3A_238] : memref<120000x256xf32, #tpu.memory_space<hbm>> -> memref<1x256xf32, #tpu.memory_space<hbm>>
      %dma_start3A_240 = arith.constant 0 : i32
      %dma_start3A_241 = tpu.memref_slice %arg4[%add3A_233, %dma_start3A_240] : memref<5000x256xf32, #tpu.memory_space<hbm>> -> memref<1x256xf32, #tpu.memory_space<hbm>>
      tpu.enqueue_dma source(%dma_start3A_241 : memref<1x256xf32, #tpu.memory_space<hbm>>) target(%dma_start3A_239 : memref<1x256xf32, #tpu.memory_space<hbm>>) target_semaphore(%arg8 : memref<!tpu.dma_semaphore, #tpu.memory_space<semaphore_mem>>)
      %mul3A_242 = arith.constant 16 : i32
      %mul3A_243 = arith.muli %scan3A_10, %mul3A_242 : i32
      %add3A_244 = arith.constant 10 : i32
      %add3A_245 = arith.addi %mul3A_243, %add3A_244 : i32
      %slice3A_246 = vector.extract_strided_slice %get3A_15 {offsets = [10], sizes = [1], strides = [1]} : vector<16xi32> to vector<1xi32>
      %squeeze3A_247 = vector.extract %slice3A_246[0] : i32 from vector<1xi32>
      %add3A_248 = arith.addi %min3A_3, %add3A_245 : i32
      %mul3A_249 = arith.constant 24 : i32
      %mul3A_250 = arith.muli %add3A_248, %mul3A_249 : i32
      %add3A_251 = arith.addi %mul3A_250, %squeeze3A_247 : i32
      %dma_start3A_252 = arith.constant 0 : i32
      %dma_start3A_253 = tpu.memref_slice %arg5[%mul3A_250, %dma_start3A_252] : memref<120000x256xf32, #tpu.memory_space<hbm>> -> memref<23x256xf32, #tpu.memory_space<hbm>>
      %dma_start3A_254 = arith.constant 0 : i32
      %dma_start3A_255 = tpu.memref_slice %arg3[%add3A_251, %dma_start3A_254] : memref<120000x256xf32, #tpu.memory_space<hbm>> -> memref<23x256xf32, #tpu.memory_space<hbm>>
      tpu.enqueue_dma source(%dma_start3A_255 : memref<23x256xf32, #tpu.memory_space<hbm>>) target(%dma_start3A_253 : memref<23x256xf32, #tpu.memory_space<hbm>>) target_semaphore(%arg7 : memref<!tpu.dma_semaphore, #tpu.memory_space<semaphore_mem>>)
      %add3A_256 = arith.addi %min3A_3, %add3A_245 : i32
      %add3A_257 = arith.constant 24 : i32
      %add3A_258 = arith.addi %mul3A_250, %add3A_257 : i32
      %sub3A_259 = arith.constant 1 : i32
      %sub3A_260 = arith.subi %add3A_258, %sub3A_259 : i32
      %dma_start3A_261 = arith.constant 0 : i32
      %dma_start3A_262 = tpu.memref_slice %arg5[%sub3A_260, %dma_start3A_261] : memref<120000x256xf32, #tpu.memory_space<hbm>> -> memref<1x256xf32, #tpu.memory_space<hbm>>
      %dma_start3A_263 = arith.constant 0 : i32
      %dma_start3A_264 = tpu.memref_slice %arg4[%add3A_256, %dma_start3A_263] : memref<5000x256xf32, #tpu.memory_space<hbm>> -> memref<1x256xf32, #tpu.memory_space<hbm>>
      tpu.enqueue_dma source(%dma_start3A_264 : memref<1x256xf32, #tpu.memory_space<hbm>>) target(%dma_start3A_262 : memref<1x256xf32, #tpu.memory_space<hbm>>) target_semaphore(%arg8 : memref<!tpu.dma_semaphore, #tpu.memory_space<semaphore_mem>>)
      %mul3A_265 = arith.constant 16 : i32
      %mul3A_266 = arith.muli %scan3A_10, %mul3A_265 : i32
      %add3A_267 = arith.constant 11 : i32
      %add3A_268 = arith.addi %mul3A_266, %add3A_267 : i32
      %slice3A_269 = vector.extract_strided_slice %get3A_15 {offsets = [11], sizes = [1], strides = [1]} : vector<16xi32> to vector<1xi32>
      %squeeze3A_270 = vector.extract %slice3A_269[0] : i32 from vector<1xi32>
      %add3A_271 = arith.addi %min3A_3, %add3A_268 : i32
      %mul3A_272 = arith.constant 24 : i32
      %mul3A_273 = arith.muli %add3A_271, %mul3A_272 : i32
      %add3A_274 = arith.addi %mul3A_273, %squeeze3A_270 : i32
      %dma_start3A_275 = arith.constant 0 : i32
      %dma_start3A_276 = tpu.memref_slice %arg5[%mul3A_273, %dma_start3A_275] : memref<120000x256xf32, #tpu.memory_space<hbm>> -> memref<23x256xf32, #tpu.memory_space<hbm>>
      %dma_start3A_277 = arith.constant 0 : i32
      %dma_start3A_278 = tpu.memref_slice %arg3[%add3A_274, %dma_start3A_277] : memref<120000x256xf32, #tpu.memory_space<hbm>> -> memref<23x256xf32, #tpu.memory_space<hbm>>
      tpu.enqueue_dma source(%dma_start3A_278 : memref<23x256xf32, #tpu.memory_space<hbm>>) target(%dma_start3A_276 : memref<23x256xf32, #tpu.memory_space<hbm>>) target_semaphore(%arg7 : memref<!tpu.dma_semaphore, #tpu.memory_space<semaphore_mem>>)
      %add3A_279 = arith.addi %min3A_3, %add3A_268 : i32
      %add3A_280 = arith.constant 24 : i32
      %add3A_281 = arith.addi %mul3A_273, %add3A_280 : i32
      %sub3A_282 = arith.constant 1 : i32
      %sub3A_283 = arith.subi %add3A_281, %sub3A_282 : i32
      %dma_start3A_284 = arith.constant 0 : i32
      %dma_start3A_285 = tpu.memref_slice %arg5[%sub3A_283, %dma_start3A_284] : memref<120000x256xf32, #tpu.memory_space<hbm>> -> memref<1x256xf32, #tpu.memory_space<hbm>>
      %dma_start3A_286 = arith.constant 0 : i32
      %dma_start3A_287 = tpu.memref_slice %arg4[%add3A_279, %dma_start3A_286] : memref<5000x256xf32, #tpu.memory_space<hbm>> -> memref<1x256xf32, #tpu.memory_space<hbm>>
      tpu.enqueue_dma source(%dma_start3A_287 : memref<1x256xf32, #tpu.memory_space<hbm>>) target(%dma_start3A_285 : memref<1x256xf32, #tpu.memory_space<hbm>>) target_semaphore(%arg8 : memref<!tpu.dma_semaphore, #tpu.memory_space<semaphore_mem>>)
      %mul3A_288 = arith.constant 16 : i32
      %mul3A_289 = arith.muli %scan3A_10, %mul3A_288 : i32
      %add3A_290 = arith.constant 12 : i32
      %add3A_291 = arith.addi %mul3A_289, %add3A_290 : i32
      %slice3A_292 = vector.extract_strided_slice %get3A_15 {offsets = [12], sizes = [1], strides = [1]} : vector<16xi32> to vector<1xi32>
      %squeeze3A_293 = vector.extract %slice3A_292[0] : i32 from vector<1xi32>
      %add3A_294 = arith.addi %min3A_3, %add3A_291 : i32
      %mul3A_295 = arith.constant 24 : i32
      %mul3A_296 = arith.muli %add3A_294, %mul3A_295 : i32
      %add3A_297 = arith.addi %mul3A_296, %squeeze3A_293 : i32
      %dma_start3A_298 = arith.constant 0 : i32
      %dma_start3A_299 = tpu.memref_slice %arg5[%mul3A_296, %dma_start3A_298] : memref<120000x256xf32, #tpu.memory_space<hbm>> -> memref<23x256xf32, #tpu.memory_space<hbm>>
      %dma_start3A_300 = arith.constant 0 : i32
      %dma_start3A_301 = tpu.memref_slice %arg3[%add3A_297, %dma_start3A_300] : memref<120000x256xf32, #tpu.memory_space<hbm>> -> memref<23x256xf32, #tpu.memory_space<hbm>>
      tpu.enqueue_dma source(%dma_start3A_301 : memref<23x256xf32, #tpu.memory_space<hbm>>) target(%dma_start3A_299 : memref<23x256xf32, #tpu.memory_space<hbm>>) target_semaphore(%arg7 : memref<!tpu.dma_semaphore, #tpu.memory_space<semaphore_mem>>)
      %add3A_302 = arith.addi %min3A_3, %add3A_291 : i32
      %add3A_303 = arith.constant 24 : i32
      %add3A_304 = arith.addi %mul3A_296, %add3A_303 : i32
      %sub3A_305 = arith.constant 1 : i32
      %sub3A_306 = arith.subi %add3A_304, %sub3A_305 : i32
      %dma_start3A_307 = arith.constant 0 : i32
      %dma_start3A_308 = tpu.memref_slice %arg5[%sub3A_306, %dma_start3A_307] : memref<120000x256xf32, #tpu.memory_space<hbm>> -> memref<1x256xf32, #tpu.memory_space<hbm>>
      %dma_start3A_309 = arith.constant 0 : i32
      %dma_start3A_310 = tpu.memref_slice %arg4[%add3A_302, %dma_start3A_309] : memref<5000x256xf32, #tpu.memory_space<hbm>> -> memref<1x256xf32, #tpu.memory_space<hbm>>
      tpu.enqueue_dma source(%dma_start3A_310 : memref<1x256xf32, #tpu.memory_space<hbm>>) target(%dma_start3A_308 : memref<1x256xf32, #tpu.memory_space<hbm>>) target_semaphore(%arg8 : memref<!tpu.dma_semaphore, #tpu.memory_space<semaphore_mem>>)
      %mul3A_311 = arith.constant 16 : i32
      %mul3A_312 = arith.muli %scan3A_10, %mul3A_311 : i32
      %add3A_313 = arith.constant 13 : i32
      %add3A_314 = arith.addi %mul3A_312, %add3A_313 : i32
      %slice3A_315 = vector.extract_strided_slice %get3A_15 {offsets = [13], sizes = [1], strides = [1]} : vector<16xi32> to vector<1xi32>
      %squeeze3A_316 = vector.extract %slice3A_315[0] : i32 from vector<1xi32>
      %add3A_317 = arith.addi %min3A_3, %add3A_314 : i32
      %mul3A_318 = arith.constant 24 : i32
      %mul3A_319 = arith.muli %add3A_317, %mul3A_318 : i32
      %add3A_320 = arith.addi %mul3A_319, %squeeze3A_316 : i32
      %dma_start3A_321 = arith.constant 0 : i32
      %dma_start3A_322 = tpu.memref_slice %arg5[%mul3A_319, %dma_start3A_321] : memref<120000x256xf32, #tpu.memory_space<hbm>> -> memref<23x256xf32, #tpu.memory_space<hbm>>
      %dma_start3A_323 = arith.constant 0 : i32
      %dma_start3A_324 = tpu.memref_slice %arg3[%add3A_320, %dma_start3A_323] : memref<120000x256xf32, #tpu.memory_space<hbm>> -> memref<23x256xf32, #tpu.memory_space<hbm>>
      tpu.enqueue_dma source(%dma_start3A_324 : memref<23x256xf32, #tpu.memory_space<hbm>>) target(%dma_start3A_322 : memref<23x256xf32, #tpu.memory_space<hbm>>) target_semaphore(%arg7 : memref<!tpu.dma_semaphore, #tpu.memory_space<semaphore_mem>>)
      %add3A_325 = arith.addi %min3A_3, %add3A_314 : i32
      %add3A_326 = arith.constant 24 : i32
      %add3A_327 = arith.addi %mul3A_319, %add3A_326 : i32
      %sub3A_328 = arith.constant 1 : i32
      %sub3A_329 = arith.subi %add3A_327, %sub3A_328 : i32
      %dma_start3A_330 = arith.constant 0 : i32
      %dma_start3A_331 = tpu.memref_slice %arg5[%sub3A_329, %dma_start3A_330] : memref<120000x256xf32, #tpu.memory_space<hbm>> -> memref<1x256xf32, #tpu.memory_space<hbm>>
      %dma_start3A_332 = arith.constant 0 : i32
      %dma_start3A_333 = tpu.memref_slice %arg4[%add3A_325, %dma_start3A_332] : memref<5000x256xf32, #tpu.memory_space<hbm>> -> memref<1x256xf32, #tpu.memory_space<hbm>>
      tpu.enqueue_dma source(%dma_start3A_333 : memref<1x256xf32, #tpu.memory_space<hbm>>) target(%dma_start3A_331 : memref<1x256xf32, #tpu.memory_space<hbm>>) target_semaphore(%arg8 : memref<!tpu.dma_semaphore, #tpu.memory_space<semaphore_mem>>)
      %mul3A_334 = arith.constant 16 : i32
      %mul3A_335 = arith.muli %scan3A_10, %mul3A_334 : i32
      %add3A_336 = arith.constant 14 : i32
      %add3A_337 = arith.addi %mul3A_335, %add3A_336 : i32
      %slice3A_338 = vector.extract_strided_slice %get3A_15 {offsets = [14], sizes = [1], strides = [1]} : vector<16xi32> to vector<1xi32>
      %squeeze3A_339 = vector.extract %slice3A_338[0] : i32 from vector<1xi32>
      %add3A_340 = arith.addi %min3A_3, %add3A_337 : i32
      %mul3A_341 = arith.constant 24 : i32
      %mul3A_342 = arith.muli %add3A_340, %mul3A_341 : i32
      %add3A_343 = arith.addi %mul3A_342, %squeeze3A_339 : i32
      %dma_start3A_344 = arith.constant 0 : i32
      %dma_start3A_345 = tpu.memref_slice %arg5[%mul3A_342, %dma_start3A_344] : memref<120000x256xf32, #tpu.memory_space<hbm>> -> memref<23x256xf32, #tpu.memory_space<hbm>>
      %dma_start3A_346 = arith.constant 0 : i32
      %dma_start3A_347 = tpu.memref_slice %arg3[%add3A_343, %dma_start3A_346] : memref<120000x256xf32, #tpu.memory_space<hbm>> -> memref<23x256xf32, #tpu.memory_space<hbm>>
      tpu.enqueue_dma source(%dma_start3A_347 : memref<23x256xf32, #tpu.memory_space<hbm>>) target(%dma_start3A_345 : memref<23x256xf32, #tpu.memory_space<hbm>>) target_semaphore(%arg7 : memref<!tpu.dma_semaphore, #tpu.memory_space<semaphore_mem>>)
      %add3A_348 = arith.addi %min3A_3, %add3A_337 : i32
      %add3A_349 = arith.constant 24 : i32
      %add3A_350 = arith.addi %mul3A_342, %add3A_349 : i32
      %sub3A_351 = arith.constant 1 : i32
      %sub3A_352 = arith.subi %add3A_350, %sub3A_351 : i32
      %dma_start3A_353 = arith.constant 0 : i32
      %dma_start3A_354 = tpu.memref_slice %arg5[%sub3A_352, %dma_start3A_353] : memref<120000x256xf32, #tpu.memory_space<hbm>> -> memref<1x256xf32, #tpu.memory_space<hbm>>
      %dma_start3A_355 = arith.constant 0 : i32
      %dma_start3A_356 = tpu.memref_slice %arg4[%add3A_348, %dma_start3A_355] : memref<5000x256xf32, #tpu.memory_space<hbm>> -> memref<1x256xf32, #tpu.memory_space<hbm>>
      tpu.enqueue_dma source(%dma_start3A_356 : memref<1x256xf32, #tpu.memory_space<hbm>>) target(%dma_start3A_354 : memref<1x256xf32, #tpu.memory_space<hbm>>) target_semaphore(%arg8 : memref<!tpu.dma_semaphore, #tpu.memory_space<semaphore_mem>>)
      %mul3A_357 = arith.constant 16 : i32
      %mul3A_358 = arith.muli %scan3A_10, %mul3A_357 : i32
      %add3A_359 = arith.constant 15 : i32
      %add3A_360 = arith.addi %mul3A_358, %add3A_359 : i32
      %slice3A_361 = vector.extract_strided_slice %get3A_15 {offsets = [15], sizes = [1], strides = [1]} : vector<16xi32> to vector<1xi32>
      %squeeze3A_362 = vector.extract %slice3A_361[0] : i32 from vector<1xi32>
      %add3A_363 = arith.addi %min3A_3, %add3A_360 : i32
      %mul3A_364 = arith.constant 24 : i32
      %mul3A_365 = arith.muli %add3A_363, %mul3A_364 : i32
      %add3A_366 = arith.addi %mul3A_365, %squeeze3A_362 : i32
      %dma_start3A_367 = arith.constant 0 : i32
      %dma_start3A_368 = tpu.memref_slice %arg5[%mul3A_365, %dma_start3A_367] : memref<120000x256xf32, #tpu.memory_space<hbm>> -> memref<23x256xf32, #tpu.memory_space<hbm>>
      %dma_start3A_369 = arith.constant 0 : i32
      %dma_start3A_370 = tpu.memref_slice %arg3[%add3A_366, %dma_start3A_369] : memref<120000x256xf32, #tpu.memory_space<hbm>> -> memref<23x256xf32, #tpu.memory_space<hbm>>
      tpu.enqueue_dma source(%dma_start3A_370 : memref<23x256xf32, #tpu.memory_space<hbm>>) target(%dma_start3A_368 : memref<23x256xf32, #tpu.memory_space<hbm>>) target_semaphore(%arg7 : memref<!tpu.dma_semaphore, #tpu.memory_space<semaphore_mem>>)
      %add3A_371 = arith.addi %min3A_3, %add3A_360 : i32
      %add3A_372 = arith.constant 24 : i32
      %add3A_373 = arith.addi %mul3A_365, %add3A_372 : i32
      %sub3A_374 = arith.constant 1 : i32
      %sub3A_375 = arith.subi %add3A_373, %sub3A_374 : i32
      %dma_start3A_376 = arith.constant 0 : i32
      %dma_start3A_377 = tpu.memref_slice %arg5[%sub3A_375, %dma_start3A_376] : memref<120000x256xf32, #tpu.memory_space<hbm>> -> memref<1x256xf32, #tpu.memory_space<hbm>>
      %dma_start3A_378 = arith.constant 0 : i32
      %dma_start3A_379 = tpu.memref_slice %arg4[%add3A_371, %dma_start3A_378] : memref<5000x256xf32, #tpu.memory_space<hbm>> -> memref<1x256xf32, #tpu.memory_space<hbm>>
      tpu.enqueue_dma source(%dma_start3A_379 : memref<1x256xf32, #tpu.memory_space<hbm>>) target(%dma_start3A_377 : memref<1x256xf32, #tpu.memory_space<hbm>>) target_semaphore(%arg8 : memref<!tpu.dma_semaphore, #tpu.memory_space<semaphore_mem>>)
      %dma_wait3A = arith.constant 0 : i32
      %dma_wait3A_380 = tpu.memref_slice %arg5[%mul3A_22, %dma_wait3A] : memref<120000x256xf32, #tpu.memory_space<hbm>> -> memref<23x256xf32, #tpu.memory_space<hbm>>
      %dma_wait3A_381 = arith.constant 0 : i32
      %dma_wait3A_382 = tpu.memref_slice %arg3[%add3A_23, %dma_wait3A_381] : memref<120000x256xf32, #tpu.memory_space<hbm>> -> memref<23x256xf32, #tpu.memory_space<hbm>>
      tpu.wait_dma2 semaphore(%arg7 : memref<!tpu.dma_semaphore, #tpu.memory_space<semaphore_mem>>) src(%dma_wait3A_382 : memref<23x256xf32, #tpu.memory_space<hbm>>) dst(%dma_wait3A_380 : memref<23x256xf32, #tpu.memory_space<hbm>>)
      %dma_wait3A_383 = arith.constant 0 : i32
      %dma_wait3A_384 = tpu.memref_slice %arg5[%sub3A_30, %dma_wait3A_383] : memref<120000x256xf32, #tpu.memory_space<hbm>> -> memref<1x256xf32, #tpu.memory_space<hbm>>
      %dma_wait3A_385 = arith.constant 0 : i32
      %dma_wait3A_386 = tpu.memref_slice %arg4[%add3A_27, %dma_wait3A_385] : memref<5000x256xf32, #tpu.memory_space<hbm>> -> memref<1x256xf32, #tpu.memory_space<hbm>>
      tpu.wait_dma2 semaphore(%arg8 : memref<!tpu.dma_semaphore, #tpu.memory_space<semaphore_mem>>) src(%dma_wait3A_386 : memref<1x256xf32, #tpu.memory_space<hbm>>) dst(%dma_wait3A_384 : memref<1x256xf32, #tpu.memory_space<hbm>>)
      %dma_wait3A_387 = arith.constant 0 : i32
      %dma_wait3A_388 = tpu.memref_slice %arg5[%mul3A_43, %dma_wait3A_387] : memref<120000x256xf32, #tpu.memory_space<hbm>> -> memref<23x256xf32, #tpu.memory_space<hbm>>
      %dma_wait3A_389 = arith.constant 0 : i32
      %dma_wait3A_390 = tpu.memref_slice %arg3[%add3A_44, %dma_wait3A_389] : memref<120000x256xf32, #tpu.memory_space<hbm>> -> memref<23x256xf32, #tpu.memory_space<hbm>>
      tpu.wait_dma2 semaphore(%arg7 : memref<!tpu.dma_semaphore, #tpu.memory_space<semaphore_mem>>) src(%dma_wait3A_390 : memref<23x256xf32, #tpu.memory_space<hbm>>) dst(%dma_wait3A_388 : memref<23x256xf32, #tpu.memory_space<hbm>>)
      %dma_wait3A_391 = arith.constant 0 : i32
      %dma_wait3A_392 = tpu.memref_slice %arg5[%sub3A_53, %dma_wait3A_391] : memref<120000x256xf32, #tpu.memory_space<hbm>> -> memref<1x256xf32, #tpu.memory_space<hbm>>
      %dma_wait3A_393 = arith.constant 0 : i32
      %dma_wait3A_394 = tpu.memref_slice %arg4[%add3A_49, %dma_wait3A_393] : memref<5000x256xf32, #tpu.memory_space<hbm>> -> memref<1x256xf32, #tpu.memory_space<hbm>>
      tpu.wait_dma2 semaphore(%arg8 : memref<!tpu.dma_semaphore, #tpu.memory_space<semaphore_mem>>) src(%dma_wait3A_394 : memref<1x256xf32, #tpu.memory_space<hbm>>) dst(%dma_wait3A_392 : memref<1x256xf32, #tpu.memory_space<hbm>>)
      %dma_wait3A_395 = arith.constant 0 : i32
      %dma_wait3A_396 = tpu.memref_slice %arg5[%mul3A_66, %dma_wait3A_395] : memref<120000x256xf32, #tpu.memory_space<hbm>> -> memref<23x256xf32, #tpu.memory_space<hbm>>
      %dma_wait3A_397 = arith.constant 0 : i32
      %dma_wait3A_398 = tpu.memref_slice %arg3[%add3A_67, %dma_wait3A_397] : memref<120000x256xf32, #tpu.memory_space<hbm>> -> memref<23x256xf32, #tpu.memory_space<hbm>>
      tpu.wait_dma2 semaphore(%arg7 : memref<!tpu.dma_semaphore, #tpu.memory_space<semaphore_mem>>) src(%dma_wait3A_398 : memref<23x256xf32, #tpu.memory_space<hbm>>) dst(%dma_wait3A_396 : memref<23x256xf32, #tpu.memory_space<hbm>>)
      %dma_wait3A_399 = arith.constant 0 : i32
      %dma_wait3A_400 = tpu.memref_slice %arg5[%sub3A_76, %dma_wait3A_399] : memref<120000x256xf32, #tpu.memory_space<hbm>> -> memref<1x256xf32, #tpu.memory_space<hbm>>
      %dma_wait3A_401 = arith.constant 0 : i32
      %dma_wait3A_402 = tpu.memref_slice %arg4[%add3A_72, %dma_wait3A_401] : memref<5000x256xf32, #tpu.memory_space<hbm>> -> memref<1x256xf32, #tpu.memory_space<hbm>>
      tpu.wait_dma2 semaphore(%arg8 : memref<!tpu.dma_semaphore, #tpu.memory_space<semaphore_mem>>) src(%dma_wait3A_402 : memref<1x256xf32, #tpu.memory_space<hbm>>) dst(%dma_wait3A_400 : memref<1x256xf32, #tpu.memory_space<hbm>>)
      %dma_wait3A_403 = arith.constant 0 : i32
      %dma_wait3A_404 = tpu.memref_slice %arg5[%mul3A_89, %dma_wait3A_403] : memref<120000x256xf32, #tpu.memory_space<hbm>> -> memref<23x256xf32, #tpu.memory_space<hbm>>
      %dma_wait3A_405 = arith.constant 0 : i32
      %dma_wait3A_406 = tpu.memref_slice %arg3[%add3A_90, %dma_wait3A_405] : memref<120000x256xf32, #tpu.memory_space<hbm>> -> memref<23x256xf32, #tpu.memory_space<hbm>>
      tpu.wait_dma2 semaphore(%arg7 : memref<!tpu.dma_semaphore, #tpu.memory_space<semaphore_mem>>) src(%dma_wait3A_406 : memref<23x256xf32, #tpu.memory_space<hbm>>) dst(%dma_wait3A_404 : memref<23x256xf32, #tpu.memory_space<hbm>>)
      %dma_wait3A_407 = arith.constant 0 : i32
      %dma_wait3A_408 = tpu.memref_slice %arg5[%sub3A_99, %dma_wait3A_407] : memref<120000x256xf32, #tpu.memory_space<hbm>> -> memref<1x256xf32, #tpu.memory_space<hbm>>
      %dma_wait3A_409 = arith.constant 0 : i32
      %dma_wait3A_410 = tpu.memref_slice %arg4[%add3A_95, %dma_wait3A_409] : memref<5000x256xf32, #tpu.memory_space<hbm>> -> memref<1x256xf32, #tpu.memory_space<hbm>>
      tpu.wait_dma2 semaphore(%arg8 : memref<!tpu.dma_semaphore, #tpu.memory_space<semaphore_mem>>) src(%dma_wait3A_410 : memref<1x256xf32, #tpu.memory_space<hbm>>) dst(%dma_wait3A_408 : memref<1x256xf32, #tpu.memory_space<hbm>>)
      %dma_wait3A_411 = arith.constant 0 : i32
      %dma_wait3A_412 = tpu.memref_slice %arg5[%mul3A_112, %dma_wait3A_411] : memref<120000x256xf32, #tpu.memory_space<hbm>> -> memref<23x256xf32, #tpu.memory_space<hbm>>
      %dma_wait3A_413 = arith.constant 0 : i32
      %dma_wait3A_414 = tpu.memref_slice %arg3[%add3A_113, %dma_wait3A_413] : memref<120000x256xf32, #tpu.memory_space<hbm>> -> memref<23x256xf32, #tpu.memory_space<hbm>>
      tpu.wait_dma2 semaphore(%arg7 : memref<!tpu.dma_semaphore, #tpu.memory_space<semaphore_mem>>) src(%dma_wait3A_414 : memref<23x256xf32, #tpu.memory_space<hbm>>) dst(%dma_wait3A_412 : memref<23x256xf32, #tpu.memory_space<hbm>>)
      %dma_wait3A_415 = arith.constant 0 : i32
      %dma_wait3A_416 = tpu.memref_slice %arg5[%sub3A_122, %dma_wait3A_415] : memref<120000x256xf32, #tpu.memory_space<hbm>> -> memref<1x256xf32, #tpu.memory_space<hbm>>
      %dma_wait3A_417 = arith.constant 0 : i32
      %dma_wait3A_418 = tpu.memref_slice %arg4[%add3A_118, %dma_wait3A_417] : memref<5000x256xf32, #tpu.memory_space<hbm>> -> memref<1x256xf32, #tpu.memory_space<hbm>>
      tpu.wait_dma2 semaphore(%arg8 : memref<!tpu.dma_semaphore, #tpu.memory_space<semaphore_mem>>) src(%dma_wait3A_418 : memref<1x256xf32, #tpu.memory_space<hbm>>) dst(%dma_wait3A_416 : memref<1x256xf32, #tpu.memory_space<hbm>>)
      %dma_wait3A_419 = arith.constant 0 : i32
      %dma_wait3A_420 = tpu.memref_slice %arg5[%mul3A_135, %dma_wait3A_419] : memref<120000x256xf32, #tpu.memory_space<hbm>> -> memref<23x256xf32, #tpu.memory_space<hbm>>
      %dma_wait3A_421 = arith.constant 0 : i32
      %dma_wait3A_422 = tpu.memref_slice %arg3[%add3A_136, %dma_wait3A_421] : memref<120000x256xf32, #tpu.memory_space<hbm>> -> memref<23x256xf32, #tpu.memory_space<hbm>>
      tpu.wait_dma2 semaphore(%arg7 : memref<!tpu.dma_semaphore, #tpu.memory_space<semaphore_mem>>) src(%dma_wait3A_422 : memref<23x256xf32, #tpu.memory_space<hbm>>) dst(%dma_wait3A_420 : memref<23x256xf32, #tpu.memory_space<hbm>>)
      %dma_wait3A_423 = arith.constant 0 : i32
      %dma_wait3A_424 = tpu.memref_slice %arg5[%sub3A_145, %dma_wait3A_423] : memref<120000x256xf32, #tpu.memory_space<hbm>> -> memref<1x256xf32, #tpu.memory_space<hbm>>
      %dma_wait3A_425 = arith.constant 0 : i32
      %dma_wait3A_426 = tpu.memref_slice %arg4[%add3A_141, %dma_wait3A_425] : memref<5000x256xf32, #tpu.memory_space<hbm>> -> memref<1x256xf32, #tpu.memory_space<hbm>>
      tpu.wait_dma2 semaphore(%arg8 : memref<!tpu.dma_semaphore, #tpu.memory_space<semaphore_mem>>) src(%dma_wait3A_426 : memref<1x256xf32, #tpu.memory_space<hbm>>) dst(%dma_wait3A_424 : memref<1x256xf32, #tpu.memory_space<hbm>>)
      %dma_wait3A_427 = arith.constant 0 : i32
      %dma_wait3A_428 = tpu.memref_slice %arg5[%mul3A_158, %dma_wait3A_427] : memref<120000x256xf32, #tpu.memory_space<hbm>> -> memref<23x256xf32, #tpu.memory_space<hbm>>
      %dma_wait3A_429 = arith.constant 0 : i32
      %dma_wait3A_430 = tpu.memref_slice %arg3[%add3A_159, %dma_wait3A_429] : memref<120000x256xf32, #tpu.memory_space<hbm>> -> memref<23x256xf32, #tpu.memory_space<hbm>>
      tpu.wait_dma2 semaphore(%arg7 : memref<!tpu.dma_semaphore, #tpu.memory_space<semaphore_mem>>) src(%dma_wait3A_430 : memref<23x256xf32, #tpu.memory_space<hbm>>) dst(%dma_wait3A_428 : memref<23x256xf32, #tpu.memory_space<hbm>>)
      %dma_wait3A_431 = arith.constant 0 : i32
      %dma_wait3A_432 = tpu.memref_slice %arg5[%sub3A_168, %dma_wait3A_431] : memref<120000x256xf32, #tpu.memory_space<hbm>> -> memref<1x256xf32, #tpu.memory_space<hbm>>
      %dma_wait3A_433 = arith.constant 0 : i32
      %dma_wait3A_434 = tpu.memref_slice %arg4[%add3A_164, %dma_wait3A_433] : memref<5000x256xf32, #tpu.memory_space<hbm>> -> memref<1x256xf32, #tpu.memory_space<hbm>>
      tpu.wait_dma2 semaphore(%arg8 : memref<!tpu.dma_semaphore, #tpu.memory_space<semaphore_mem>>) src(%dma_wait3A_434 : memref<1x256xf32, #tpu.memory_space<hbm>>) dst(%dma_wait3A_432 : memref<1x256xf32, #tpu.memory_space<hbm>>)
      %dma_wait3A_435 = arith.constant 0 : i32
      %dma_wait3A_436 = tpu.memref_slice %arg5[%mul3A_181, %dma_wait3A_435] : memref<120000x256xf32, #tpu.memory_space<hbm>> -> memref<23x256xf32, #tpu.memory_space<hbm>>
      %dma_wait3A_437 = arith.constant 0 : i32
      %dma_wait3A_438 = tpu.memref_slice %arg3[%add3A_182, %dma_wait3A_437] : memref<120000x256xf32, #tpu.memory_space<hbm>> -> memref<23x256xf32, #tpu.memory_space<hbm>>
      tpu.wait_dma2 semaphore(%arg7 : memref<!tpu.dma_semaphore, #tpu.memory_space<semaphore_mem>>) src(%dma_wait3A_438 : memref<23x256xf32, #tpu.memory_space<hbm>>) dst(%dma_wait3A_436 : memref<23x256xf32, #tpu.memory_space<hbm>>)
      %dma_wait3A_439 = arith.constant 0 : i32
      %dma_wait3A_440 = tpu.memref_slice %arg5[%sub3A_191, %dma_wait3A_439] : memref<120000x256xf32, #tpu.memory_space<hbm>> -> memref<1x256xf32, #tpu.memory_space<hbm>>
      %dma_wait3A_441 = arith.constant 0 : i32
      %dma_wait3A_442 = tpu.memref_slice %arg4[%add3A_187, %dma_wait3A_441] : memref<5000x256xf32, #tpu.memory_space<hbm>> -> memref<1x256xf32, #tpu.memory_space<hbm>>
      tpu.wait_dma2 semaphore(%arg8 : memref<!tpu.dma_semaphore, #tpu.memory_space<semaphore_mem>>) src(%dma_wait3A_442 : memref<1x256xf32, #tpu.memory_space<hbm>>) dst(%dma_wait3A_440 : memref<1x256xf32, #tpu.memory_space<hbm>>)
      %dma_wait3A_443 = arith.constant 0 : i32
      %dma_wait3A_444 = tpu.memref_slice %arg5[%mul3A_204, %dma_wait3A_443] : memref<120000x256xf32, #tpu.memory_space<hbm>> -> memref<23x256xf32, #tpu.memory_space<hbm>>
      %dma_wait3A_445 = arith.constant 0 : i32
      %dma_wait3A_446 = tpu.memref_slice %arg3[%add3A_205, %dma_wait3A_445] : memref<120000x256xf32, #tpu.memory_space<hbm>> -> memref<23x256xf32, #tpu.memory_space<hbm>>
      tpu.wait_dma2 semaphore(%arg7 : memref<!tpu.dma_semaphore, #tpu.memory_space<semaphore_mem>>) src(%dma_wait3A_446 : memref<23x256xf32, #tpu.memory_space<hbm>>) dst(%dma_wait3A_444 : memref<23x256xf32, #tpu.memory_space<hbm>>)
      %dma_wait3A_447 = arith.constant 0 : i32
      %dma_wait3A_448 = tpu.memref_slice %arg5[%sub3A_214, %dma_wait3A_447] : memref<120000x256xf32, #tpu.memory_space<hbm>> -> memref<1x256xf32, #tpu.memory_space<hbm>>
      %dma_wait3A_449 = arith.constant 0 : i32
      %dma_wait3A_450 = tpu.memref_slice %arg4[%add3A_210, %dma_wait3A_449] : memref<5000x256xf32, #tpu.memory_space<hbm>> -> memref<1x256xf32, #tpu.memory_space<hbm>>
      tpu.wait_dma2 semaphore(%arg8 : memref<!tpu.dma_semaphore, #tpu.memory_space<semaphore_mem>>) src(%dma_wait3A_450 : memref<1x256xf32, #tpu.memory_space<hbm>>) dst(%dma_wait3A_448 : memref<1x256xf32, #tpu.memory_space<hbm>>)
      %dma_wait3A_451 = arith.constant 0 : i32
      %dma_wait3A_452 = tpu.memref_slice %arg5[%mul3A_227, %dma_wait3A_451] : memref<120000x256xf32, #tpu.memory_space<hbm>> -> memref<23x256xf32, #tpu.memory_space<hbm>>
      %dma_wait3A_453 = arith.constant 0 : i32
      %dma_wait3A_454 = tpu.memref_slice %arg3[%add3A_228, %dma_wait3A_453] : memref<120000x256xf32, #tpu.memory_space<hbm>> -> memref<23x256xf32, #tpu.memory_space<hbm>>
      tpu.wait_dma2 semaphore(%arg7 : memref<!tpu.dma_semaphore, #tpu.memory_space<semaphore_mem>>) src(%dma_wait3A_454 : memref<23x256xf32, #tpu.memory_space<hbm>>) dst(%dma_wait3A_452 : memref<23x256xf32, #tpu.memory_space<hbm>>)
      %dma_wait3A_455 = arith.constant 0 : i32
      %dma_wait3A_456 = tpu.memref_slice %arg5[%sub3A_237, %dma_wait3A_455] : memref<120000x256xf32, #tpu.memory_space<hbm>> -> memref<1x256xf32, #tpu.memory_space<hbm>>
      %dma_wait3A_457 = arith.constant 0 : i32
      %dma_wait3A_458 = tpu.memref_slice %arg4[%add3A_233, %dma_wait3A_457] : memref<5000x256xf32, #tpu.memory_space<hbm>> -> memref<1x256xf32, #tpu.memory_space<hbm>>
      tpu.wait_dma2 semaphore(%arg8 : memref<!tpu.dma_semaphore, #tpu.memory_space<semaphore_mem>>) src(%dma_wait3A_458 : memref<1x256xf32, #tpu.memory_space<hbm>>) dst(%dma_wait3A_456 : memref<1x256xf32, #tpu.memory_space<hbm>>)
      %dma_wait3A_459 = arith.constant 0 : i32
      %dma_wait3A_460 = tpu.memref_slice %arg5[%mul3A_250, %dma_wait3A_459] : memref<120000x256xf32, #tpu.memory_space<hbm>> -> memref<23x256xf32, #tpu.memory_space<hbm>>
      %dma_wait3A_461 = arith.constant 0 : i32
      %dma_wait3A_462 = tpu.memref_slice %arg3[%add3A_251, %dma_wait3A_461] : memref<120000x256xf32, #tpu.memory_space<hbm>> -> memref<23x256xf32, #tpu.memory_space<hbm>>
      tpu.wait_dma2 semaphore(%arg7 : memref<!tpu.dma_semaphore, #tpu.memory_space<semaphore_mem>>) src(%dma_wait3A_462 : memref<23x256xf32, #tpu.memory_space<hbm>>) dst(%dma_wait3A_460 : memref<23x256xf32, #tpu.memory_space<hbm>>)
      %dma_wait3A_463 = arith.constant 0 : i32
      %dma_wait3A_464 = tpu.memref_slice %arg5[%sub3A_260, %dma_wait3A_463] : memref<120000x256xf32, #tpu.memory_space<hbm>> -> memref<1x256xf32, #tpu.memory_space<hbm>>
      %dma_wait3A_465 = arith.constant 0 : i32
      %dma_wait3A_466 = tpu.memref_slice %arg4[%add3A_256, %dma_wait3A_465] : memref<5000x256xf32, #tpu.memory_space<hbm>> -> memref<1x256xf32, #tpu.memory_space<hbm>>
      tpu.wait_dma2 semaphore(%arg8 : memref<!tpu.dma_semaphore, #tpu.memory_space<semaphore_mem>>) src(%dma_wait3A_466 : memref<1x256xf32, #tpu.memory_space<hbm>>) dst(%dma_wait3A_464 : memref<1x256xf32, #tpu.memory_space<hbm>>)
      %dma_wait3A_467 = arith.constant 0 : i32
      %dma_wait3A_468 = tpu.memref_slice %arg5[%mul3A_273, %dma_wait3A_467] : memref<120000x256xf32, #tpu.memory_space<hbm>> -> memref<23x256xf32, #tpu.memory_space<hbm>>
      %dma_wait3A_469 = arith.constant 0 : i32
      %dma_wait3A_470 = tpu.memref_slice %arg3[%add3A_274, %dma_wait3A_469] : memref<120000x256xf32, #tpu.memory_space<hbm>> -> memref<23x256xf32, #tpu.memory_space<hbm>>
      tpu.wait_dma2 semaphore(%arg7 : memref<!tpu.dma_semaphore, #tpu.memory_space<semaphore_mem>>) src(%dma_wait3A_470 : memref<23x256xf32, #tpu.memory_space<hbm>>) dst(%dma_wait3A_468 : memref<23x256xf32, #tpu.memory_space<hbm>>)
      %dma_wait3A_471 = arith.constant 0 : i32
      %dma_wait3A_472 = tpu.memref_slice %arg5[%sub3A_283, %dma_wait3A_471] : memref<120000x256xf32, #tpu.memory_space<hbm>> -> memref<1x256xf32, #tpu.memory_space<hbm>>
      %dma_wait3A_473 = arith.constant 0 : i32
      %dma_wait3A_474 = tpu.memref_slice %arg4[%add3A_279, %dma_wait3A_473] : memref<5000x256xf32, #tpu.memory_space<hbm>> -> memref<1x256xf32, #tpu.memory_space<hbm>>
      tpu.wait_dma2 semaphore(%arg8 : memref<!tpu.dma_semaphore, #tpu.memory_space<semaphore_mem>>) src(%dma_wait3A_474 : memref<1x256xf32, #tpu.memory_space<hbm>>) dst(%dma_wait3A_472 : memref<1x256xf32, #tpu.memory_space<hbm>>)
      %dma_wait3A_475 = arith.constant 0 : i32
      %dma_wait3A_476 = tpu.memref_slice %arg5[%mul3A_296, %dma_wait3A_475] : memref<120000x256xf32, #tpu.memory_space<hbm>> -> memref<23x256xf32, #tpu.memory_space<hbm>>
      %dma_wait3A_477 = arith.constant 0 : i32
      %dma_wait3A_478 = tpu.memref_slice %arg3[%add3A_297, %dma_wait3A_477] : memref<120000x256xf32, #tpu.memory_space<hbm>> -> memref<23x256xf32, #tpu.memory_space<hbm>>
      tpu.wait_dma2 semaphore(%arg7 : memref<!tpu.dma_semaphore, #tpu.memory_space<semaphore_mem>>) src(%dma_wait3A_478 : memref<23x256xf32, #tpu.memory_space<hbm>>) dst(%dma_wait3A_476 : memref<23x256xf32, #tpu.memory_space<hbm>>)
      %dma_wait3A_479 = arith.constant 0 : i32
      %dma_wait3A_480 = tpu.memref_slice %arg5[%sub3A_306, %dma_wait3A_479] : memref<120000x256xf32, #tpu.memory_space<hbm>> -> memref<1x256xf32, #tpu.memory_space<hbm>>
      %dma_wait3A_481 = arith.constant 0 : i32
      %dma_wait3A_482 = tpu.memref_slice %arg4[%add3A_302, %dma_wait3A_481] : memref<5000x256xf32, #tpu.memory_space<hbm>> -> memref<1x256xf32, #tpu.memory_space<hbm>>
      tpu.wait_dma2 semaphore(%arg8 : memref<!tpu.dma_semaphore, #tpu.memory_space<semaphore_mem>>) src(%dma_wait3A_482 : memref<1x256xf32, #tpu.memory_space<hbm>>) dst(%dma_wait3A_480 : memref<1x256xf32, #tpu.memory_space<hbm>>)
      %dma_wait3A_483 = arith.constant 0 : i32
      %dma_wait3A_484 = tpu.memref_slice %arg5[%mul3A_319, %dma_wait3A_483] : memref<120000x256xf32, #tpu.memory_space<hbm>> -> memref<23x256xf32, #tpu.memory_space<hbm>>
      %dma_wait3A_485 = arith.constant 0 : i32
      %dma_wait3A_486 = tpu.memref_slice %arg3[%add3A_320, %dma_wait3A_485] : memref<120000x256xf32, #tpu.memory_space<hbm>> -> memref<23x256xf32, #tpu.memory_space<hbm>>
      tpu.wait_dma2 semaphore(%arg7 : memref<!tpu.dma_semaphore, #tpu.memory_space<semaphore_mem>>) src(%dma_wait3A_486 : memref<23x256xf32, #tpu.memory_space<hbm>>) dst(%dma_wait3A_484 : memref<23x256xf32, #tpu.memory_space<hbm>>)
      %dma_wait3A_487 = arith.constant 0 : i32
      %dma_wait3A_488 = tpu.memref_slice %arg5[%sub3A_329, %dma_wait3A_487] : memref<120000x256xf32, #tpu.memory_space<hbm>> -> memref<1x256xf32, #tpu.memory_space<hbm>>
      %dma_wait3A_489 = arith.constant 0 : i32
      %dma_wait3A_490 = tpu.memref_slice %arg4[%add3A_325, %dma_wait3A_489] : memref<5000x256xf32, #tpu.memory_space<hbm>> -> memref<1x256xf32, #tpu.memory_space<hbm>>
      tpu.wait_dma2 semaphore(%arg8 : memref<!tpu.dma_semaphore, #tpu.memory_space<semaphore_mem>>) src(%dma_wait3A_490 : memref<1x256xf32, #tpu.memory_space<hbm>>) dst(%dma_wait3A_488 : memref<1x256xf32, #tpu.memory_space<hbm>>)
      %dma_wait3A_491 = arith.constant 0 : i32
      %dma_wait3A_492 = tpu.memref_slice %arg5[%mul3A_342, %dma_wait3A_491] : memref<120000x256xf32, #tpu.memory_space<hbm>> -> memref<23x256xf32, #tpu.memory_space<hbm>>
      %dma_wait3A_493 = arith.constant 0 : i32
      %dma_wait3A_494 = tpu.memref_slice %arg3[%add3A_343, %dma_wait3A_493] : memref<120000x256xf32, #tpu.memory_space<hbm>> -> memref<23x256xf32, #tpu.memory_space<hbm>>
      tpu.wait_dma2 semaphore(%arg7 : memref<!tpu.dma_semaphore, #tpu.memory_space<semaphore_mem>>) src(%dma_wait3A_494 : memref<23x256xf32, #tpu.memory_space<hbm>>) dst(%dma_wait3A_492 : memref<23x256xf32, #tpu.memory_space<hbm>>)
      %dma_wait3A_495 = arith.constant 0 : i32
      %dma_wait3A_496 = tpu.memref_slice %arg5[%sub3A_352, %dma_wait3A_495] : memref<120000x256xf32, #tpu.memory_space<hbm>> -> memref<1x256xf32, #tpu.memory_space<hbm>>
      %dma_wait3A_497 = arith.constant 0 : i32
      %dma_wait3A_498 = tpu.memref_slice %arg4[%add3A_348, %dma_wait3A_497] : memref<5000x256xf32, #tpu.memory_space<hbm>> -> memref<1x256xf32, #tpu.memory_space<hbm>>
      tpu.wait_dma2 semaphore(%arg8 : memref<!tpu.dma_semaphore, #tpu.memory_space<semaphore_mem>>) src(%dma_wait3A_498 : memref<1x256xf32, #tpu.memory_space<hbm>>) dst(%dma_wait3A_496 : memref<1x256xf32, #tpu.memory_space<hbm>>)
      %dma_wait3A_499 = arith.constant 0 : i32
      %dma_wait3A_500 = tpu.memref_slice %arg5[%mul3A_365, %dma_wait3A_499] : memref<120000x256xf32, #tpu.memory_space<hbm>> -> memref<23x256xf32, #tpu.memory_space<hbm>>
      %dma_wait3A_501 = arith.constant 0 : i32
      %dma_wait3A_502 = tpu.memref_slice %arg3[%add3A_366, %dma_wait3A_501] : memref<120000x256xf32, #tpu.memory_space<hbm>> -> memref<23x256xf32, #tpu.memory_space<hbm>>
      tpu.wait_dma2 semaphore(%arg7 : memref<!tpu.dma_semaphore, #tpu.memory_space<semaphore_mem>>) src(%dma_wait3A_502 : memref<23x256xf32, #tpu.memory_space<hbm>>) dst(%dma_wait3A_500 : memref<23x256xf32, #tpu.memory_space<hbm>>)
      %dma_wait3A_503 = arith.constant 0 : i32
      %dma_wait3A_504 = tpu.memref_slice %arg5[%sub3A_375, %dma_wait3A_503] : memref<120000x256xf32, #tpu.memory_space<hbm>> -> memref<1x256xf32, #tpu.memory_space<hbm>>
      %dma_wait3A_505 = arith.constant 0 : i32
      %dma_wait3A_506 = tpu.memref_slice %arg4[%add3A_371, %dma_wait3A_505] : memref<5000x256xf32, #tpu.memory_space<hbm>> -> memref<1x256xf32, #tpu.memory_space<hbm>>
      tpu.wait_dma2 semaphore(%arg8 : memref<!tpu.dma_semaphore, #tpu.memory_space<semaphore_mem>>) src(%dma_wait3A_506 : memref<1x256xf32, #tpu.memory_space<hbm>>) dst(%dma_wait3A_504 : memref<1x256xf32, #tpu.memory_space<hbm>>)
      %scan3A_507 = arith.constant 0 : i32
      scf.yield %scan3A_507 : i32
    }
    %scan3A_9 = arith.constant 10 : i32
    return
  }
}

module attributes {stable_mosaic.version = 14 : i64} {
  func.func @_tc_body(%arg0: i32, %arg1: memref<200x4xf32, #tpu.memory_space<vmem>>, %arg2: memref<200x4xf32, #tpu.memory_space<vmem>>, %arg3: memref<8x5120xf32, #tpu.memory_space<vmem>>, %arg4: memref<200x24xi32, #tpu.memory_space<vmem>>, %arg5: memref<200x24xi8, #tpu.memory_space<vmem>>, %arg6: memref<200x256xf32, #tpu.memory_space<vmem>>, %arg7: memref<200x256xf32, #tpu.memory_space<vmem>>, %arg8: memref<200x1xi32, #tpu.memory_space<vmem>>, %arg9: memref<200x256xf32, #tpu.memory_space<vmem>>, %arg10: memref<200x24xi32, #tpu.memory_space<vmem>>, %arg11: memref<200x24xi8, #tpu.memory_space<vmem>>, %arg12: memref<200x1xf32, #tpu.memory_space<vmem>>) attributes {dimension_semantics = [#tpu.dimension_semantics<parallel>], iteration_bounds = array<i64: 25>, scalar_prefetch = 0 : i64, scratch_operands = 0 : i64, tpu.core_type = #tpu.core_type<tc>, window_params = [{transform_indices = @transform_0, window_bounds = array<i64: 200, 4>}, {transform_indices = @transform_1, window_bounds = array<i64: 200, 4>}, {pipeline_mode = #tpu.pipeline_mode<synchronous>, transform_indices = @transform_2, window_bounds = array<i64: 8, 5120>}, {transform_indices = @transform_3, window_bounds = array<i64: 200, 24>}, {transform_indices = @transform_4, window_bounds = array<i64: 200, 24>}, {transform_indices = @transform_5, window_bounds = array<i64: 200, 256>}, {transform_indices = @transform_6, window_bounds = array<i64: 200, 256>}, {transform_indices = @transform_7, window_bounds = array<i64: 200, 1>}, {transform_indices = @transform_8, window_bounds = array<i64: 200, 256>}, {transform_indices = @transform_9, window_bounds = array<i64: 200, 24>}, {transform_indices = @transform_10, window_bounds = array<i64: 200, 24>}, {transform_indices = @transform_11, window_bounds = array<i64: 200, 1>}]} {
    %get3A = arith.constant 0 : index
    %get3A_0 = arith.constant 0 : index
    %get3A_1 = vector.load %arg2[%get3A, %get3A_0] : memref<200x4xf32, #tpu.memory_space<vmem>>, vector<200x4xf32>
    %slice3A = vector.extract_strided_slice %get3A_1 {offsets = [0, 0], sizes = [200, 1], strides = [1, 1]} : vector<200x4xf32> to vector<200x1xf32>
    %slice3A_2 = vector.extract_strided_slice %get3A_1 {offsets = [0, 1], sizes = [200, 1], strides = [1, 1]} : vector<200x4xf32> to vector<200x1xf32>
    %slice3A_3 = vector.extract_strided_slice %get3A_1 {offsets = [0, 2], sizes = [200, 1], strides = [1, 1]} : vector<200x4xf32> to vector<200x1xf32>
    %slice3A_4 = vector.extract_strided_slice %get3A_1 {offsets = [0, 3], sizes = [200, 1], strides = [1, 1]} : vector<200x4xf32> to vector<200x1xf32>
    %mul3A = arith.constant 5.000000e-01 : f32
    %mul3A_5 = vector.broadcast %mul3A : f32 to vector<200x1xf32>
    %mul3A_6 = arith.mulf %mul3A_5, %slice3A_3 : vector<200x1xf32>
    %sub3A = arith.subf %slice3A, %mul3A_6 : vector<200x1xf32>
    %mul3A_7 = arith.constant 5.000000e-01 : f32
    %mul3A_8 = vector.broadcast %mul3A_7 : f32 to vector<200x1xf32>
    %mul3A_9 = arith.mulf %mul3A_8, %slice3A_4 : vector<200x1xf32>
    %sub3A_10 = arith.subf %slice3A_2, %mul3A_9 : vector<200x1xf32>
    %mul3A_11 = arith.constant 5.000000e-01 : f32
    %mul3A_12 = vector.broadcast %mul3A_11 : f32 to vector<200x1xf32>
    %mul3A_13 = arith.mulf %mul3A_12, %slice3A_3 : vector<200x1xf32>
    %add3A = arith.addf %slice3A, %mul3A_13 : vector<200x1xf32>
    %mul3A_14 = arith.constant 5.000000e-01 : f32
    %mul3A_15 = vector.broadcast %mul3A_14 : f32 to vector<200x1xf32>
    %mul3A_16 = arith.mulf %mul3A_15, %slice3A_4 : vector<200x1xf32>
    %add3A_17 = arith.addf %slice3A_2, %mul3A_16 : vector<200x1xf32>
    %sub3A_18 = arith.subf %add3A, %sub3A : vector<200x1xf32>
    %sub3A_19 = arith.subf %add3A_17, %sub3A_10 : vector<200x1xf32>
    %mul3A_20 = arith.mulf %sub3A_18, %sub3A_19 : vector<200x1xf32>
    %broadcast_in_dim3A = arith.constant 0xFF800000 : f32
    %broadcast_in_dim3A_21 = vector.broadcast %broadcast_in_dim3A : f32 to vector<200x512xf32>
    %get3A_22 = arith.constant 0 : index
    %get3A_23 = arith.constant 0 : index
    %get3A_24 = vector.load %arg3[%get3A_22, %get3A_23] : memref<8x5120xf32, #tpu.memory_space<vmem>>, vector<1x512xf32>
    %get3A_25 = arith.constant 1 : index
    %get3A_26 = arith.constant 0 : index
    %get3A_27 = vector.load %arg3[%get3A_25, %get3A_26] : memref<8x5120xf32, #tpu.memory_space<vmem>>, vector<1x512xf32>
    %get3A_28 = arith.constant 2 : index
    %get3A_29 = arith.constant 0 : index
    %get3A_30 = vector.load %arg3[%get3A_28, %get3A_29] : memref<8x5120xf32, #tpu.memory_space<vmem>>, vector<1x512xf32>
    %get3A_31 = arith.constant 3 : index
    %get3A_32 = arith.constant 0 : index
    %get3A_33 = vector.load %arg3[%get3A_31, %get3A_32] : memref<8x5120xf32, #tpu.memory_space<vmem>>, vector<1x512xf32>
    %mul3A_34 = arith.constant 5.000000e-01 : f32
    %mul3A_35 = vector.broadcast %mul3A_34 : f32 to vector<1x512xf32>
    %mul3A_36 = arith.mulf %mul3A_35, %get3A_30 : vector<1x512xf32>
    %sub3A_37 = arith.subf %get3A_24, %mul3A_36 : vector<1x512xf32>
    %mul3A_38 = arith.constant 5.000000e-01 : f32
    %mul3A_39 = vector.broadcast %mul3A_38 : f32 to vector<1x512xf32>
    %mul3A_40 = arith.mulf %mul3A_39, %get3A_33 : vector<1x512xf32>
    %sub3A_41 = arith.subf %get3A_27, %mul3A_40 : vector<1x512xf32>
    %mul3A_42 = arith.constant 5.000000e-01 : f32
    %mul3A_43 = vector.broadcast %mul3A_42 : f32 to vector<1x512xf32>
    %mul3A_44 = arith.mulf %mul3A_43, %get3A_30 : vector<1x512xf32>
    %add3A_45 = arith.addf %get3A_24, %mul3A_44 : vector<1x512xf32>
    %mul3A_46 = arith.constant 5.000000e-01 : f32
    %mul3A_47 = vector.broadcast %mul3A_46 : f32 to vector<1x512xf32>
    %mul3A_48 = arith.mulf %mul3A_47, %get3A_33 : vector<1x512xf32>
    %add3A_49 = arith.addf %get3A_27, %mul3A_48 : vector<1x512xf32>
    %sub3A_50 = arith.subf %add3A_45, %sub3A_37 : vector<1x512xf32>
    %sub3A_51 = arith.subf %add3A_49, %sub3A_41 : vector<1x512xf32>
    %mul3A_52 = arith.mulf %sub3A_50, %sub3A_51 : vector<1x512xf32>
    %max3A = vector.broadcast %sub3A : vector<200x1xf32> to vector<200x512xf32>
    %max3A_53 = vector.broadcast %sub3A_37 : vector<1x512xf32> to vector<200x512xf32>
    %max3A_54 = arith.maximumf %max3A, %max3A_53 : vector<200x512xf32>
    %max3A_55 = vector.broadcast %sub3A_10 : vector<200x1xf32> to vector<200x512xf32>
    %max3A_56 = vector.broadcast %sub3A_41 : vector<1x512xf32> to vector<200x512xf32>
    %max3A_57 = arith.maximumf %max3A_55, %max3A_56 : vector<200x512xf32>
    %min3A = vector.broadcast %add3A : vector<200x1xf32> to vector<200x512xf32>
    %min3A_58 = vector.broadcast %add3A_45 : vector<1x512xf32> to vector<200x512xf32>
    %min3A_59 = arith.minimumf %min3A, %min3A_58 : vector<200x512xf32>
    %min3A_60 = vector.broadcast %add3A_17 : vector<200x1xf32> to vector<200x512xf32>
    %min3A_61 = vector.broadcast %add3A_49 : vector<1x512xf32> to vector<200x512xf32>
    %min3A_62 = arith.minimumf %min3A_60, %min3A_61 : vector<200x512xf32>
    %sub3A_63 = arith.subf %min3A_59, %max3A_54 : vector<200x512xf32>
    %max3A_64 = arith.constant 0.000000e+00 : f32
    %max3A_65 = vector.broadcast %max3A_64 : f32 to vector<200x512xf32>
    %max3A_66 = arith.maximumf %sub3A_63, %max3A_65 : vector<200x512xf32>
    %sub3A_67 = arith.subf %min3A_62, %max3A_57 : vector<200x512xf32>
    %mul3A_68 = arith.mulf %max3A_66, %sub3A_67 : vector<200x512xf32>
    %mul3A_69 = arith.constant 3.000000e+00 : f32
    %mul3A_70 = vector.broadcast %mul3A_69 : f32 to vector<200x512xf32>
    %mul3A_71 = arith.mulf %mul3A_70, %mul3A_68 : vector<200x512xf32>
    %add3A_72 = vector.broadcast %mul3A_20 : vector<200x1xf32> to vector<200x512xf32>
    %add3A_73 = vector.broadcast %mul3A_52 : vector<1x512xf32> to vector<200x512xf32>
    %add3A_74 = arith.addf %add3A_72, %add3A_73 : vector<200x512xf32>
    %sub3A_75 = arith.subf %mul3A_71, %add3A_74 : vector<200x512xf32>
    %lt3A = vector.broadcast %add3A_49 : vector<1x512xf32> to vector<200x512xf32>
    %lt3A_76 = vector.broadcast %add3A_17 : vector<200x1xf32> to vector<200x512xf32>
    %lt3A_77 = arith.cmpf olt, %lt3A, %lt3A_76 : vector<200x512xf32>
    %jit3A = arith.constant 0xFF800000 : f32
    %broadcast_in_dim3A_78 = vector.broadcast %jit3A : f32 to vector<200x512xf32>
    %select_n3A = arith.select %lt3A_77, %sub3A_75, %broadcast_in_dim3A_78 : vector<200x512xi1>, vector<200x512xf32>
    %max3A_79 = arith.maximumf %broadcast_in_dim3A_21, %select_n3A : vector<200x512xf32>
    %get3A_80 = arith.constant 0 : index
    %get3A_81 = arith.constant 512 : index
    %get3A_82 = vector.load %arg3[%get3A_80, %get3A_81] : memref<8x5120xf32, #tpu.memory_space<vmem>>, vector<1x512xf32>
    %get3A_83 = arith.constant 1 : index
    %get3A_84 = arith.constant 512 : index
    %get3A_85 = vector.load %arg3[%get3A_83, %get3A_84] : memref<8x5120xf32, #tpu.memory_space<vmem>>, vector<1x512xf32>
    %get3A_86 = arith.constant 2 : index
    %get3A_87 = arith.constant 512 : index
    %get3A_88 = vector.load %arg3[%get3A_86, %get3A_87] : memref<8x5120xf32, #tpu.memory_space<vmem>>, vector<1x512xf32>
    %get3A_89 = arith.constant 3 : index
    %get3A_90 = arith.constant 512 : index
    %get3A_91 = vector.load %arg3[%get3A_89, %get3A_90] : memref<8x5120xf32, #tpu.memory_space<vmem>>, vector<1x512xf32>
    %mul3A_92 = arith.constant 5.000000e-01 : f32
    %mul3A_93 = vector.broadcast %mul3A_92 : f32 to vector<1x512xf32>
    %mul3A_94 = arith.mulf %mul3A_93, %get3A_88 : vector<1x512xf32>
    %sub3A_95 = arith.subf %get3A_82, %mul3A_94 : vector<1x512xf32>
    %mul3A_96 = arith.constant 5.000000e-01 : f32
    %mul3A_97 = vector.broadcast %mul3A_96 : f32 to vector<1x512xf32>
    %mul3A_98 = arith.mulf %mul3A_97, %get3A_91 : vector<1x512xf32>
    %sub3A_99 = arith.subf %get3A_85, %mul3A_98 : vector<1x512xf32>
    %mul3A_100 = arith.constant 5.000000e-01 : f32
    %mul3A_101 = vector.broadcast %mul3A_100 : f32 to vector<1x512xf32>
    %mul3A_102 = arith.mulf %mul3A_101, %get3A_88 : vector<1x512xf32>
    %add3A_103 = arith.addf %get3A_82, %mul3A_102 : vector<1x512xf32>
    %mul3A_104 = arith.constant 5.000000e-01 : f32
    %mul3A_105 = vector.broadcast %mul3A_104 : f32 to vector<1x512xf32>
    %mul3A_106 = arith.mulf %mul3A_105, %get3A_91 : vector<1x512xf32>
    %add3A_107 = arith.addf %get3A_85, %mul3A_106 : vector<1x512xf32>
    %sub3A_108 = arith.subf %add3A_103, %sub3A_95 : vector<1x512xf32>
    %sub3A_109 = arith.subf %add3A_107, %sub3A_99 : vector<1x512xf32>
    %mul3A_110 = arith.mulf %sub3A_108, %sub3A_109 : vector<1x512xf32>
    %max3A_111 = vector.broadcast %sub3A : vector<200x1xf32> to vector<200x512xf32>
    %max3A_112 = vector.broadcast %sub3A_95 : vector<1x512xf32> to vector<200x512xf32>
    %max3A_113 = arith.maximumf %max3A_111, %max3A_112 : vector<200x512xf32>
    %max3A_114 = vector.broadcast %sub3A_10 : vector<200x1xf32> to vector<200x512xf32>
    %max3A_115 = vector.broadcast %sub3A_99 : vector<1x512xf32> to vector<200x512xf32>
    %max3A_116 = arith.maximumf %max3A_114, %max3A_115 : vector<200x512xf32>
    %min3A_117 = vector.broadcast %add3A : vector<200x1xf32> to vector<200x512xf32>
    %min3A_118 = vector.broadcast %add3A_103 : vector<1x512xf32> to vector<200x512xf32>
    %min3A_119 = arith.minimumf %min3A_117, %min3A_118 : vector<200x512xf32>
    %min3A_120 = vector.broadcast %add3A_17 : vector<200x1xf32> to vector<200x512xf32>
    %min3A_121 = vector.broadcast %add3A_107 : vector<1x512xf32> to vector<200x512xf32>
    %min3A_122 = arith.minimumf %min3A_120, %min3A_121 : vector<200x512xf32>
    %sub3A_123 = arith.subf %min3A_119, %max3A_113 : vector<200x512xf32>
    %max3A_124 = arith.constant 0.000000e+00 : f32
    %max3A_125 = vector.broadcast %max3A_124 : f32 to vector<200x512xf32>
    %max3A_126 = arith.maximumf %sub3A_123, %max3A_125 : vector<200x512xf32>
    %sub3A_127 = arith.subf %min3A_122, %max3A_116 : vector<200x512xf32>
    %mul3A_128 = arith.mulf %max3A_126, %sub3A_127 : vector<200x512xf32>
    %mul3A_129 = arith.constant 3.000000e+00 : f32
    %mul3A_130 = vector.broadcast %mul3A_129 : f32 to vector<200x512xf32>
    %mul3A_131 = arith.mulf %mul3A_130, %mul3A_128 : vector<200x512xf32>
    %add3A_132 = vector.broadcast %mul3A_20 : vector<200x1xf32> to vector<200x512xf32>
    %add3A_133 = vector.broadcast %mul3A_110 : vector<1x512xf32> to vector<200x512xf32>
    %add3A_134 = arith.addf %add3A_132, %add3A_133 : vector<200x512xf32>
    %sub3A_135 = arith.subf %mul3A_131, %add3A_134 : vector<200x512xf32>
    %lt3A_136 = vector.broadcast %add3A_107 : vector<1x512xf32> to vector<200x512xf32>
    %lt3A_137 = vector.broadcast %add3A_17 : vector<200x1xf32> to vector<200x512xf32>
    %lt3A_138 = arith.cmpf olt, %lt3A_136, %lt3A_137 : vector<200x512xf32>
    %jit3A_139 = arith.constant 0xFF800000 : f32
    %broadcast_in_dim3A_140 = vector.broadcast %jit3A_139 : f32 to vector<200x512xf32>
    %select_n3A_141 = arith.select %lt3A_138, %sub3A_135, %broadcast_in_dim3A_140 : vector<200x512xi1>, vector<200x512xf32>
    %max3A_142 = arith.maximumf %max3A_79, %select_n3A_141 : vector<200x512xf32>
    %get3A_143 = arith.constant 0 : index
    %get3A_144 = arith.constant 1024 : index
    %get3A_145 = vector.load %arg3[%get3A_143, %get3A_144] : memref<8x5120xf32, #tpu.memory_space<vmem>>, vector<1x512xf32>
    %get3A_146 = arith.constant 1 : index
    %get3A_147 = arith.constant 1024 : index
    %get3A_148 = vector.load %arg3[%get3A_146, %get3A_147] : memref<8x5120xf32, #tpu.memory_space<vmem>>, vector<1x512xf32>
    %get3A_149 = arith.constant 2 : index
    %get3A_150 = arith.constant 1024 : index
    %get3A_151 = vector.load %arg3[%get3A_149, %get3A_150] : memref<8x5120xf32, #tpu.memory_space<vmem>>, vector<1x512xf32>
    %get3A_152 = arith.constant 3 : index
    %get3A_153 = arith.constant 1024 : index
    %get3A_154 = vector.load %arg3[%get3A_152, %get3A_153] : memref<8x5120xf32, #tpu.memory_space<vmem>>, vector<1x512xf32>
    %mul3A_155 = arith.constant 5.000000e-01 : f32
    %mul3A_156 = vector.broadcast %mul3A_155 : f32 to vector<1x512xf32>
    %mul3A_157 = arith.mulf %mul3A_156, %get3A_151 : vector<1x512xf32>
    %sub3A_158 = arith.subf %get3A_145, %mul3A_157 : vector<1x512xf32>
    %mul3A_159 = arith.constant 5.000000e-01 : f32
    %mul3A_160 = vector.broadcast %mul3A_159 : f32 to vector<1x512xf32>
    %mul3A_161 = arith.mulf %mul3A_160, %get3A_154 : vector<1x512xf32>
    %sub3A_162 = arith.subf %get3A_148, %mul3A_161 : vector<1x512xf32>
    %mul3A_163 = arith.constant 5.000000e-01 : f32
    %mul3A_164 = vector.broadcast %mul3A_163 : f32 to vector<1x512xf32>
    %mul3A_165 = arith.mulf %mul3A_164, %get3A_151 : vector<1x512xf32>
    %add3A_166 = arith.addf %get3A_145, %mul3A_165 : vector<1x512xf32>
    %mul3A_167 = arith.constant 5.000000e-01 : f32
    %mul3A_168 = vector.broadcast %mul3A_167 : f32 to vector<1x512xf32>
    %mul3A_169 = arith.mulf %mul3A_168, %get3A_154 : vector<1x512xf32>
    %add3A_170 = arith.addf %get3A_148, %mul3A_169 : vector<1x512xf32>
    %sub3A_171 = arith.subf %add3A_166, %sub3A_158 : vector<1x512xf32>
    %sub3A_172 = arith.subf %add3A_170, %sub3A_162 : vector<1x512xf32>
    %mul3A_173 = arith.mulf %sub3A_171, %sub3A_172 : vector<1x512xf32>
    %max3A_174 = vector.broadcast %sub3A : vector<200x1xf32> to vector<200x512xf32>
    %max3A_175 = vector.broadcast %sub3A_158 : vector<1x512xf32> to vector<200x512xf32>
    %max3A_176 = arith.maximumf %max3A_174, %max3A_175 : vector<200x512xf32>
    %max3A_177 = vector.broadcast %sub3A_10 : vector<200x1xf32> to vector<200x512xf32>
    %max3A_178 = vector.broadcast %sub3A_162 : vector<1x512xf32> to vector<200x512xf32>
    %max3A_179 = arith.maximumf %max3A_177, %max3A_178 : vector<200x512xf32>
    %min3A_180 = vector.broadcast %add3A : vector<200x1xf32> to vector<200x512xf32>
    %min3A_181 = vector.broadcast %add3A_166 : vector<1x512xf32> to vector<200x512xf32>
    %min3A_182 = arith.minimumf %min3A_180, %min3A_181 : vector<200x512xf32>
    %min3A_183 = vector.broadcast %add3A_17 : vector<200x1xf32> to vector<200x512xf32>
    %min3A_184 = vector.broadcast %add3A_170 : vector<1x512xf32> to vector<200x512xf32>
    %min3A_185 = arith.minimumf %min3A_183, %min3A_184 : vector<200x512xf32>
    %sub3A_186 = arith.subf %min3A_182, %max3A_176 : vector<200x512xf32>
    %max3A_187 = arith.constant 0.000000e+00 : f32
    %max3A_188 = vector.broadcast %max3A_187 : f32 to vector<200x512xf32>
    %max3A_189 = arith.maximumf %sub3A_186, %max3A_188 : vector<200x512xf32>
    %sub3A_190 = arith.subf %min3A_185, %max3A_179 : vector<200x512xf32>
    %mul3A_191 = arith.mulf %max3A_189, %sub3A_190 : vector<200x512xf32>
    %mul3A_192 = arith.constant 3.000000e+00 : f32
    %mul3A_193 = vector.broadcast %mul3A_192 : f32 to vector<200x512xf32>
    %mul3A_194 = arith.mulf %mul3A_193, %mul3A_191 : vector<200x512xf32>
    %add3A_195 = vector.broadcast %mul3A_20 : vector<200x1xf32> to vector<200x512xf32>
    %add3A_196 = vector.broadcast %mul3A_173 : vector<1x512xf32> to vector<200x512xf32>
    %add3A_197 = arith.addf %add3A_195, %add3A_196 : vector<200x512xf32>
    %sub3A_198 = arith.subf %mul3A_194, %add3A_197 : vector<200x512xf32>
    %lt3A_199 = vector.broadcast %add3A_170 : vector<1x512xf32> to vector<200x512xf32>
    %lt3A_200 = vector.broadcast %add3A_17 : vector<200x1xf32> to vector<200x512xf32>
    %lt3A_201 = arith.cmpf olt, %lt3A_199, %lt3A_200 : vector<200x512xf32>
    %jit3A_202 = arith.constant 0xFF800000 : f32
    %broadcast_in_dim3A_203 = vector.broadcast %jit3A_202 : f32 to vector<200x512xf32>
    %select_n3A_204 = arith.select %lt3A_201, %sub3A_198, %broadcast_in_dim3A_203 : vector<200x512xi1>, vector<200x512xf32>
    %max3A_205 = arith.maximumf %max3A_142, %select_n3A_204 : vector<200x512xf32>
    %get3A_206 = arith.constant 0 : index
    %get3A_207 = arith.constant 1536 : index
    %get3A_208 = vector.load %arg3[%get3A_206, %get3A_207] : memref<8x5120xf32, #tpu.memory_space<vmem>>, vector<1x512xf32>
    %get3A_209 = arith.constant 1 : index
    %get3A_210 = arith.constant 1536 : index
    %get3A_211 = vector.load %arg3[%get3A_209, %get3A_210] : memref<8x5120xf32, #tpu.memory_space<vmem>>, vector<1x512xf32>
    %get3A_212 = arith.constant 2 : index
    %get3A_213 = arith.constant 1536 : index
    %get3A_214 = vector.load %arg3[%get3A_212, %get3A_213] : memref<8x5120xf32, #tpu.memory_space<vmem>>, vector<1x512xf32>
    %get3A_215 = arith.constant 3 : index
    %get3A_216 = arith.constant 1536 : index
    %get3A_217 = vector.load %arg3[%get3A_215, %get3A_216] : memref<8x5120xf32, #tpu.memory_space<vmem>>, vector<1x512xf32>
    %mul3A_218 = arith.constant 5.000000e-01 : f32
    %mul3A_219 = vector.broadcast %mul3A_218 : f32 to vector<1x512xf32>
    %mul3A_220 = arith.mulf %mul3A_219, %get3A_214 : vector<1x512xf32>
    %sub3A_221 = arith.subf %get3A_208, %mul3A_220 : vector<1x512xf32>
    %mul3A_222 = arith.constant 5.000000e-01 : f32
    %mul3A_223 = vector.broadcast %mul3A_222 : f32 to vector<1x512xf32>
    %mul3A_224 = arith.mulf %mul3A_223, %get3A_217 : vector<1x512xf32>
    %sub3A_225 = arith.subf %get3A_211, %mul3A_224 : vector<1x512xf32>
    %mul3A_226 = arith.constant 5.000000e-01 : f32
    %mul3A_227 = vector.broadcast %mul3A_226 : f32 to vector<1x512xf32>
    %mul3A_228 = arith.mulf %mul3A_227, %get3A_214 : vector<1x512xf32>
    %add3A_229 = arith.addf %get3A_208, %mul3A_228 : vector<1x512xf32>
    %mul3A_230 = arith.constant 5.000000e-01 : f32
    %mul3A_231 = vector.broadcast %mul3A_230 : f32 to vector<1x512xf32>
    %mul3A_232 = arith.mulf %mul3A_231, %get3A_217 : vector<1x512xf32>
    %add3A_233 = arith.addf %get3A_211, %mul3A_232 : vector<1x512xf32>
    %sub3A_234 = arith.subf %add3A_229, %sub3A_221 : vector<1x512xf32>
    %sub3A_235 = arith.subf %add3A_233, %sub3A_225 : vector<1x512xf32>
    %mul3A_236 = arith.mulf %sub3A_234, %sub3A_235 : vector<1x512xf32>
    %max3A_237 = vector.broadcast %sub3A : vector<200x1xf32> to vector<200x512xf32>
    %max3A_238 = vector.broadcast %sub3A_221 : vector<1x512xf32> to vector<200x512xf32>
    %max3A_239 = arith.maximumf %max3A_237, %max3A_238 : vector<200x512xf32>
    %max3A_240 = vector.broadcast %sub3A_10 : vector<200x1xf32> to vector<200x512xf32>
    %max3A_241 = vector.broadcast %sub3A_225 : vector<1x512xf32> to vector<200x512xf32>
    %max3A_242 = arith.maximumf %max3A_240, %max3A_241 : vector<200x512xf32>
    %min3A_243 = vector.broadcast %add3A : vector<200x1xf32> to vector<200x512xf32>
    %min3A_244 = vector.broadcast %add3A_229 : vector<1x512xf32> to vector<200x512xf32>
    %min3A_245 = arith.minimumf %min3A_243, %min3A_244 : vector<200x512xf32>
    %min3A_246 = vector.broadcast %add3A_17 : vector<200x1xf32> to vector<200x512xf32>
    %min3A_247 = vector.broadcast %add3A_233 : vector<1x512xf32> to vector<200x512xf32>
    %min3A_248 = arith.minimumf %min3A_246, %min3A_247 : vector<200x512xf32>
    %sub3A_249 = arith.subf %min3A_245, %max3A_239 : vector<200x512xf32>
    %max3A_250 = arith.constant 0.000000e+00 : f32
    %max3A_251 = vector.broadcast %max3A_250 : f32 to vector<200x512xf32>
    %max3A_252 = arith.maximumf %sub3A_249, %max3A_251 : vector<200x512xf32>
    %sub3A_253 = arith.subf %min3A_248, %max3A_242 : vector<200x512xf32>
    %mul3A_254 = arith.mulf %max3A_252, %sub3A_253 : vector<200x512xf32>
    %mul3A_255 = arith.constant 3.000000e+00 : f32
    %mul3A_256 = vector.broadcast %mul3A_255 : f32 to vector<200x512xf32>
    %mul3A_257 = arith.mulf %mul3A_256, %mul3A_254 : vector<200x512xf32>
    %add3A_258 = vector.broadcast %mul3A_20 : vector<200x1xf32> to vector<200x512xf32>
    %add3A_259 = vector.broadcast %mul3A_236 : vector<1x512xf32> to vector<200x512xf32>
    %add3A_260 = arith.addf %add3A_258, %add3A_259 : vector<200x512xf32>
    %sub3A_261 = arith.subf %mul3A_257, %add3A_260 : vector<200x512xf32>
    %lt3A_262 = vector.broadcast %add3A_233 : vector<1x512xf32> to vector<200x512xf32>
    %lt3A_263 = vector.broadcast %add3A_17 : vector<200x1xf32> to vector<200x512xf32>
    %lt3A_264 = arith.cmpf olt, %lt3A_262, %lt3A_263 : vector<200x512xf32>
    %jit3A_265 = arith.constant 0xFF800000 : f32
    %broadcast_in_dim3A_266 = vector.broadcast %jit3A_265 : f32 to vector<200x512xf32>
    %select_n3A_267 = arith.select %lt3A_264, %sub3A_261, %broadcast_in_dim3A_266 : vector<200x512xi1>, vector<200x512xf32>
    %max3A_268 = arith.maximumf %max3A_205, %select_n3A_267 : vector<200x512xf32>
    %get3A_269 = arith.constant 0 : index
    %get3A_270 = arith.constant 2048 : index
    %get3A_271 = vector.load %arg3[%get3A_269, %get3A_270] : memref<8x5120xf32, #tpu.memory_space<vmem>>, vector<1x512xf32>
    %get3A_272 = arith.constant 1 : index
    %get3A_273 = arith.constant 2048 : index
    %get3A_274 = vector.load %arg3[%get3A_272, %get3A_273] : memref<8x5120xf32, #tpu.memory_space<vmem>>, vector<1x512xf32>
    %get3A_275 = arith.constant 2 : index
    %get3A_276 = arith.constant 2048 : index
    %get3A_277 = vector.load %arg3[%get3A_275, %get3A_276] : memref<8x5120xf32, #tpu.memory_space<vmem>>, vector<1x512xf32>
    %get3A_278 = arith.constant 3 : index
    %get3A_279 = arith.constant 2048 : index
    %get3A_280 = vector.load %arg3[%get3A_278, %get3A_279] : memref<8x5120xf32, #tpu.memory_space<vmem>>, vector<1x512xf32>
    %mul3A_281 = arith.constant 5.000000e-01 : f32
    %mul3A_282 = vector.broadcast %mul3A_281 : f32 to vector<1x512xf32>
    %mul3A_283 = arith.mulf %mul3A_282, %get3A_277 : vector<1x512xf32>
    %sub3A_284 = arith.subf %get3A_271, %mul3A_283 : vector<1x512xf32>
    %mul3A_285 = arith.constant 5.000000e-01 : f32
    %mul3A_286 = vector.broadcast %mul3A_285 : f32 to vector<1x512xf32>
    %mul3A_287 = arith.mulf %mul3A_286, %get3A_280 : vector<1x512xf32>
    %sub3A_288 = arith.subf %get3A_274, %mul3A_287 : vector<1x512xf32>
    %mul3A_289 = arith.constant 5.000000e-01 : f32
    %mul3A_290 = vector.broadcast %mul3A_289 : f32 to vector<1x512xf32>
    %mul3A_291 = arith.mulf %mul3A_290, %get3A_277 : vector<1x512xf32>
    %add3A_292 = arith.addf %get3A_271, %mul3A_291 : vector<1x512xf32>
    %mul3A_293 = arith.constant 5.000000e-01 : f32
    %mul3A_294 = vector.broadcast %mul3A_293 : f32 to vector<1x512xf32>
    %mul3A_295 = arith.mulf %mul3A_294, %get3A_280 : vector<1x512xf32>
    %add3A_296 = arith.addf %get3A_274, %mul3A_295 : vector<1x512xf32>
    %sub3A_297 = arith.subf %add3A_292, %sub3A_284 : vector<1x512xf32>
    %sub3A_298 = arith.subf %add3A_296, %sub3A_288 : vector<1x512xf32>
    %mul3A_299 = arith.mulf %sub3A_297, %sub3A_298 : vector<1x512xf32>
    %max3A_300 = vector.broadcast %sub3A : vector<200x1xf32> to vector<200x512xf32>
    %max3A_301 = vector.broadcast %sub3A_284 : vector<1x512xf32> to vector<200x512xf32>
    %max3A_302 = arith.maximumf %max3A_300, %max3A_301 : vector<200x512xf32>
    %max3A_303 = vector.broadcast %sub3A_10 : vector<200x1xf32> to vector<200x512xf32>
    %max3A_304 = vector.broadcast %sub3A_288 : vector<1x512xf32> to vector<200x512xf32>
    %max3A_305 = arith.maximumf %max3A_303, %max3A_304 : vector<200x512xf32>
    %min3A_306 = vector.broadcast %add3A : vector<200x1xf32> to vector<200x512xf32>
    %min3A_307 = vector.broadcast %add3A_292 : vector<1x512xf32> to vector<200x512xf32>
    %min3A_308 = arith.minimumf %min3A_306, %min3A_307 : vector<200x512xf32>
    %min3A_309 = vector.broadcast %add3A_17 : vector<200x1xf32> to vector<200x512xf32>
    %min3A_310 = vector.broadcast %add3A_296 : vector<1x512xf32> to vector<200x512xf32>
    %min3A_311 = arith.minimumf %min3A_309, %min3A_310 : vector<200x512xf32>
    %sub3A_312 = arith.subf %min3A_308, %max3A_302 : vector<200x512xf32>
    %max3A_313 = arith.constant 0.000000e+00 : f32
    %max3A_314 = vector.broadcast %max3A_313 : f32 to vector<200x512xf32>
    %max3A_315 = arith.maximumf %sub3A_312, %max3A_314 : vector<200x512xf32>
    %sub3A_316 = arith.subf %min3A_311, %max3A_305 : vector<200x512xf32>
    %mul3A_317 = arith.mulf %max3A_315, %sub3A_316 : vector<200x512xf32>
    %mul3A_318 = arith.constant 3.000000e+00 : f32
    %mul3A_319 = vector.broadcast %mul3A_318 : f32 to vector<200x512xf32>
    %mul3A_320 = arith.mulf %mul3A_319, %mul3A_317 : vector<200x512xf32>
    %add3A_321 = vector.broadcast %mul3A_20 : vector<200x1xf32> to vector<200x512xf32>
    %add3A_322 = vector.broadcast %mul3A_299 : vector<1x512xf32> to vector<200x512xf32>
    %add3A_323 = arith.addf %add3A_321, %add3A_322 : vector<200x512xf32>
    %sub3A_324 = arith.subf %mul3A_320, %add3A_323 : vector<200x512xf32>
    %lt3A_325 = vector.broadcast %add3A_296 : vector<1x512xf32> to vector<200x512xf32>
    %lt3A_326 = vector.broadcast %add3A_17 : vector<200x1xf32> to vector<200x512xf32>
    %lt3A_327 = arith.cmpf olt, %lt3A_325, %lt3A_326 : vector<200x512xf32>
    %jit3A_328 = arith.constant 0xFF800000 : f32
    %broadcast_in_dim3A_329 = vector.broadcast %jit3A_328 : f32 to vector<200x512xf32>
    %select_n3A_330 = arith.select %lt3A_327, %sub3A_324, %broadcast_in_dim3A_329 : vector<200x512xi1>, vector<200x512xf32>
    %max3A_331 = arith.maximumf %max3A_268, %select_n3A_330 : vector<200x512xf32>
    %get3A_332 = arith.constant 0 : index
    %get3A_333 = arith.constant 2560 : index
    %get3A_334 = vector.load %arg3[%get3A_332, %get3A_333] : memref<8x5120xf32, #tpu.memory_space<vmem>>, vector<1x512xf32>
    %get3A_335 = arith.constant 1 : index
    %get3A_336 = arith.constant 2560 : index
    %get3A_337 = vector.load %arg3[%get3A_335, %get3A_336] : memref<8x5120xf32, #tpu.memory_space<vmem>>, vector<1x512xf32>
    %get3A_338 = arith.constant 2 : index
    %get3A_339 = arith.constant 2560 : index
    %get3A_340 = vector.load %arg3[%get3A_338, %get3A_339] : memref<8x5120xf32, #tpu.memory_space<vmem>>, vector<1x512xf32>
    %get3A_341 = arith.constant 3 : index
    %get3A_342 = arith.constant 2560 : index
    %get3A_343 = vector.load %arg3[%get3A_341, %get3A_342] : memref<8x5120xf32, #tpu.memory_space<vmem>>, vector<1x512xf32>
    %mul3A_344 = arith.constant 5.000000e-01 : f32
    %mul3A_345 = vector.broadcast %mul3A_344 : f32 to vector<1x512xf32>
    %mul3A_346 = arith.mulf %mul3A_345, %get3A_340 : vector<1x512xf32>
    %sub3A_347 = arith.subf %get3A_334, %mul3A_346 : vector<1x512xf32>
    %mul3A_348 = arith.constant 5.000000e-01 : f32
    %mul3A_349 = vector.broadcast %mul3A_348 : f32 to vector<1x512xf32>
    %mul3A_350 = arith.mulf %mul3A_349, %get3A_343 : vector<1x512xf32>
    %sub3A_351 = arith.subf %get3A_337, %mul3A_350 : vector<1x512xf32>
    %mul3A_352 = arith.constant 5.000000e-01 : f32
    %mul3A_353 = vector.broadcast %mul3A_352 : f32 to vector<1x512xf32>
    %mul3A_354 = arith.mulf %mul3A_353, %get3A_340 : vector<1x512xf32>
    %add3A_355 = arith.addf %get3A_334, %mul3A_354 : vector<1x512xf32>
    %mul3A_356 = arith.constant 5.000000e-01 : f32
    %mul3A_357 = vector.broadcast %mul3A_356 : f32 to vector<1x512xf32>
    %mul3A_358 = arith.mulf %mul3A_357, %get3A_343 : vector<1x512xf32>
    %add3A_359 = arith.addf %get3A_337, %mul3A_358 : vector<1x512xf32>
    %sub3A_360 = arith.subf %add3A_355, %sub3A_347 : vector<1x512xf32>
    %sub3A_361 = arith.subf %add3A_359, %sub3A_351 : vector<1x512xf32>
    %mul3A_362 = arith.mulf %sub3A_360, %sub3A_361 : vector<1x512xf32>
    %max3A_363 = vector.broadcast %sub3A : vector<200x1xf32> to vector<200x512xf32>
    %max3A_364 = vector.broadcast %sub3A_347 : vector<1x512xf32> to vector<200x512xf32>
    %max3A_365 = arith.maximumf %max3A_363, %max3A_364 : vector<200x512xf32>
    %max3A_366 = vector.broadcast %sub3A_10 : vector<200x1xf32> to vector<200x512xf32>
    %max3A_367 = vector.broadcast %sub3A_351 : vector<1x512xf32> to vector<200x512xf32>
    %max3A_368 = arith.maximumf %max3A_366, %max3A_367 : vector<200x512xf32>
    %min3A_369 = vector.broadcast %add3A : vector<200x1xf32> to vector<200x512xf32>
    %min3A_370 = vector.broadcast %add3A_355 : vector<1x512xf32> to vector<200x512xf32>
    %min3A_371 = arith.minimumf %min3A_369, %min3A_370 : vector<200x512xf32>
    %min3A_372 = vector.broadcast %add3A_17 : vector<200x1xf32> to vector<200x512xf32>
    %min3A_373 = vector.broadcast %add3A_359 : vector<1x512xf32> to vector<200x512xf32>
    %min3A_374 = arith.minimumf %min3A_372, %min3A_373 : vector<200x512xf32>
    %sub3A_375 = arith.subf %min3A_371, %max3A_365 : vector<200x512xf32>
    %max3A_376 = arith.constant 0.000000e+00 : f32
    %max3A_377 = vector.broadcast %max3A_376 : f32 to vector<200x512xf32>
    %max3A_378 = arith.maximumf %sub3A_375, %max3A_377 : vector<200x512xf32>
    %sub3A_379 = arith.subf %min3A_374, %max3A_368 : vector<200x512xf32>
    %mul3A_380 = arith.mulf %max3A_378, %sub3A_379 : vector<200x512xf32>
    %mul3A_381 = arith.constant 3.000000e+00 : f32
    %mul3A_382 = vector.broadcast %mul3A_381 : f32 to vector<200x512xf32>
    %mul3A_383 = arith.mulf %mul3A_382, %mul3A_380 : vector<200x512xf32>
    %add3A_384 = vector.broadcast %mul3A_20 : vector<200x1xf32> to vector<200x512xf32>
    %add3A_385 = vector.broadcast %mul3A_362 : vector<1x512xf32> to vector<200x512xf32>
    %add3A_386 = arith.addf %add3A_384, %add3A_385 : vector<200x512xf32>
    %sub3A_387 = arith.subf %mul3A_383, %add3A_386 : vector<200x512xf32>
    %lt3A_388 = vector.broadcast %add3A_359 : vector<1x512xf32> to vector<200x512xf32>
    %lt3A_389 = vector.broadcast %add3A_17 : vector<200x1xf32> to vector<200x512xf32>
    %lt3A_390 = arith.cmpf olt, %lt3A_388, %lt3A_389 : vector<200x512xf32>
    %jit3A_391 = arith.constant 0xFF800000 : f32
    %broadcast_in_dim3A_392 = vector.broadcast %jit3A_391 : f32 to vector<200x512xf32>
    %select_n3A_393 = arith.select %lt3A_390, %sub3A_387, %broadcast_in_dim3A_392 : vector<200x512xi1>, vector<200x512xf32>
    %max3A_394 = arith.maximumf %max3A_331, %select_n3A_393 : vector<200x512xf32>
    %get3A_395 = arith.constant 0 : index
    %get3A_396 = arith.constant 3072 : index
    %get3A_397 = vector.load %arg3[%get3A_395, %get3A_396] : memref<8x5120xf32, #tpu.memory_space<vmem>>, vector<1x512xf32>
    %get3A_398 = arith.constant 1 : index
    %get3A_399 = arith.constant 3072 : index
    %get3A_400 = vector.load %arg3[%get3A_398, %get3A_399] : memref<8x5120xf32, #tpu.memory_space<vmem>>, vector<1x512xf32>
    %get3A_401 = arith.constant 2 : index
    %get3A_402 = arith.constant 3072 : index
    %get3A_403 = vector.load %arg3[%get3A_401, %get3A_402] : memref<8x5120xf32, #tpu.memory_space<vmem>>, vector<1x512xf32>
    %get3A_404 = arith.constant 3 : index
    %get3A_405 = arith.constant 3072 : index
    %get3A_406 = vector.load %arg3[%get3A_404, %get3A_405] : memref<8x5120xf32, #tpu.memory_space<vmem>>, vector<1x512xf32>
    %mul3A_407 = arith.constant 5.000000e-01 : f32
    %mul3A_408 = vector.broadcast %mul3A_407 : f32 to vector<1x512xf32>
    %mul3A_409 = arith.mulf %mul3A_408, %get3A_403 : vector<1x512xf32>
    %sub3A_410 = arith.subf %get3A_397, %mul3A_409 : vector<1x512xf32>
    %mul3A_411 = arith.constant 5.000000e-01 : f32
    %mul3A_412 = vector.broadcast %mul3A_411 : f32 to vector<1x512xf32>
    %mul3A_413 = arith.mulf %mul3A_412, %get3A_406 : vector<1x512xf32>
    %sub3A_414 = arith.subf %get3A_400, %mul3A_413 : vector<1x512xf32>
    %mul3A_415 = arith.constant 5.000000e-01 : f32
    %mul3A_416 = vector.broadcast %mul3A_415 : f32 to vector<1x512xf32>
    %mul3A_417 = arith.mulf %mul3A_416, %get3A_403 : vector<1x512xf32>
    %add3A_418 = arith.addf %get3A_397, %mul3A_417 : vector<1x512xf32>
    %mul3A_419 = arith.constant 5.000000e-01 : f32
    %mul3A_420 = vector.broadcast %mul3A_419 : f32 to vector<1x512xf32>
    %mul3A_421 = arith.mulf %mul3A_420, %get3A_406 : vector<1x512xf32>
    %add3A_422 = arith.addf %get3A_400, %mul3A_421 : vector<1x512xf32>
    %sub3A_423 = arith.subf %add3A_418, %sub3A_410 : vector<1x512xf32>
    %sub3A_424 = arith.subf %add3A_422, %sub3A_414 : vector<1x512xf32>
    %mul3A_425 = arith.mulf %sub3A_423, %sub3A_424 : vector<1x512xf32>
    %max3A_426 = vector.broadcast %sub3A : vector<200x1xf32> to vector<200x512xf32>
    %max3A_427 = vector.broadcast %sub3A_410 : vector<1x512xf32> to vector<200x512xf32>
    %max3A_428 = arith.maximumf %max3A_426, %max3A_427 : vector<200x512xf32>
    %max3A_429 = vector.broadcast %sub3A_10 : vector<200x1xf32> to vector<200x512xf32>
    %max3A_430 = vector.broadcast %sub3A_414 : vector<1x512xf32> to vector<200x512xf32>
    %max3A_431 = arith.maximumf %max3A_429, %max3A_430 : vector<200x512xf32>
    %min3A_432 = vector.broadcast %add3A : vector<200x1xf32> to vector<200x512xf32>
    %min3A_433 = vector.broadcast %add3A_418 : vector<1x512xf32> to vector<200x512xf32>
    %min3A_434 = arith.minimumf %min3A_432, %min3A_433 : vector<200x512xf32>
    %min3A_435 = vector.broadcast %add3A_17 : vector<200x1xf32> to vector<200x512xf32>
    %min3A_436 = vector.broadcast %add3A_422 : vector<1x512xf32> to vector<200x512xf32>
    %min3A_437 = arith.minimumf %min3A_435, %min3A_436 : vector<200x512xf32>
    %sub3A_438 = arith.subf %min3A_434, %max3A_428 : vector<200x512xf32>
    %max3A_439 = arith.constant 0.000000e+00 : f32
    %max3A_440 = vector.broadcast %max3A_439 : f32 to vector<200x512xf32>
    %max3A_441 = arith.maximumf %sub3A_438, %max3A_440 : vector<200x512xf32>
    %sub3A_442 = arith.subf %min3A_437, %max3A_431 : vector<200x512xf32>
    %mul3A_443 = arith.mulf %max3A_441, %sub3A_442 : vector<200x512xf32>
    %mul3A_444 = arith.constant 3.000000e+00 : f32
    %mul3A_445 = vector.broadcast %mul3A_444 : f32 to vector<200x512xf32>
    %mul3A_446 = arith.mulf %mul3A_445, %mul3A_443 : vector<200x512xf32>
    %add3A_447 = vector.broadcast %mul3A_20 : vector<200x1xf32> to vector<200x512xf32>
    %add3A_448 = vector.broadcast %mul3A_425 : vector<1x512xf32> to vector<200x512xf32>
    %add3A_449 = arith.addf %add3A_447, %add3A_448 : vector<200x512xf32>
    %sub3A_450 = arith.subf %mul3A_446, %add3A_449 : vector<200x512xf32>
    %lt3A_451 = vector.broadcast %add3A_422 : vector<1x512xf32> to vector<200x512xf32>
    %lt3A_452 = vector.broadcast %add3A_17 : vector<200x1xf32> to vector<200x512xf32>
    %lt3A_453 = arith.cmpf olt, %lt3A_451, %lt3A_452 : vector<200x512xf32>
    %jit3A_454 = arith.constant 0xFF800000 : f32
    %broadcast_in_dim3A_455 = vector.broadcast %jit3A_454 : f32 to vector<200x512xf32>
    %select_n3A_456 = arith.select %lt3A_453, %sub3A_450, %broadcast_in_dim3A_455 : vector<200x512xi1>, vector<200x512xf32>
    %max3A_457 = arith.maximumf %max3A_394, %select_n3A_456 : vector<200x512xf32>
    %get3A_458 = arith.constant 0 : index
    %get3A_459 = arith.constant 3584 : index
    %get3A_460 = vector.load %arg3[%get3A_458, %get3A_459] : memref<8x5120xf32, #tpu.memory_space<vmem>>, vector<1x512xf32>
    %get3A_461 = arith.constant 1 : index
    %get3A_462 = arith.constant 3584 : index
    %get3A_463 = vector.load %arg3[%get3A_461, %get3A_462] : memref<8x5120xf32, #tpu.memory_space<vmem>>, vector<1x512xf32>
    %get3A_464 = arith.constant 2 : index
    %get3A_465 = arith.constant 3584 : index
    %get3A_466 = vector.load %arg3[%get3A_464, %get3A_465] : memref<8x5120xf32, #tpu.memory_space<vmem>>, vector<1x512xf32>
    %get3A_467 = arith.constant 3 : index
    %get3A_468 = arith.constant 3584 : index
    %get3A_469 = vector.load %arg3[%get3A_467, %get3A_468] : memref<8x5120xf32, #tpu.memory_space<vmem>>, vector<1x512xf32>
    %mul3A_470 = arith.constant 5.000000e-01 : f32
    %mul3A_471 = vector.broadcast %mul3A_470 : f32 to vector<1x512xf32>
    %mul3A_472 = arith.mulf %mul3A_471, %get3A_466 : vector<1x512xf32>
    %sub3A_473 = arith.subf %get3A_460, %mul3A_472 : vector<1x512xf32>
    %mul3A_474 = arith.constant 5.000000e-01 : f32
    %mul3A_475 = vector.broadcast %mul3A_474 : f32 to vector<1x512xf32>
    %mul3A_476 = arith.mulf %mul3A_475, %get3A_469 : vector<1x512xf32>
    %sub3A_477 = arith.subf %get3A_463, %mul3A_476 : vector<1x512xf32>
    %mul3A_478 = arith.constant 5.000000e-01 : f32
    %mul3A_479 = vector.broadcast %mul3A_478 : f32 to vector<1x512xf32>
    %mul3A_480 = arith.mulf %mul3A_479, %get3A_466 : vector<1x512xf32>
    %add3A_481 = arith.addf %get3A_460, %mul3A_480 : vector<1x512xf32>
    %mul3A_482 = arith.constant 5.000000e-01 : f32
    %mul3A_483 = vector.broadcast %mul3A_482 : f32 to vector<1x512xf32>
    %mul3A_484 = arith.mulf %mul3A_483, %get3A_469 : vector<1x512xf32>
    %add3A_485 = arith.addf %get3A_463, %mul3A_484 : vector<1x512xf32>
    %sub3A_486 = arith.subf %add3A_481, %sub3A_473 : vector<1x512xf32>
    %sub3A_487 = arith.subf %add3A_485, %sub3A_477 : vector<1x512xf32>
    %mul3A_488 = arith.mulf %sub3A_486, %sub3A_487 : vector<1x512xf32>
    %max3A_489 = vector.broadcast %sub3A : vector<200x1xf32> to vector<200x512xf32>
    %max3A_490 = vector.broadcast %sub3A_473 : vector<1x512xf32> to vector<200x512xf32>
    %max3A_491 = arith.maximumf %max3A_489, %max3A_490 : vector<200x512xf32>
    %max3A_492 = vector.broadcast %sub3A_10 : vector<200x1xf32> to vector<200x512xf32>
    %max3A_493 = vector.broadcast %sub3A_477 : vector<1x512xf32> to vector<200x512xf32>
    %max3A_494 = arith.maximumf %max3A_492, %max3A_493 : vector<200x512xf32>
    %min3A_495 = vector.broadcast %add3A : vector<200x1xf32> to vector<200x512xf32>
    %min3A_496 = vector.broadcast %add3A_481 : vector<1x512xf32> to vector<200x512xf32>
    %min3A_497 = arith.minimumf %min3A_495, %min3A_496 : vector<200x512xf32>
    %min3A_498 = vector.broadcast %add3A_17 : vector<200x1xf32> to vector<200x512xf32>
    %min3A_499 = vector.broadcast %add3A_485 : vector<1x512xf32> to vector<200x512xf32>
    %min3A_500 = arith.minimumf %min3A_498, %min3A_499 : vector<200x512xf32>
    %sub3A_501 = arith.subf %min3A_497, %max3A_491 : vector<200x512xf32>
    %max3A_502 = arith.constant 0.000000e+00 : f32
    %max3A_503 = vector.broadcast %max3A_502 : f32 to vector<200x512xf32>
    %max3A_504 = arith.maximumf %sub3A_501, %max3A_503 : vector<200x512xf32>
    %sub3A_505 = arith.subf %min3A_500, %max3A_494 : vector<200x512xf32>
    %mul3A_506 = arith.mulf %max3A_504, %sub3A_505 : vector<200x512xf32>
    %mul3A_507 = arith.constant 3.000000e+00 : f32
    %mul3A_508 = vector.broadcast %mul3A_507 : f32 to vector<200x512xf32>
    %mul3A_509 = arith.mulf %mul3A_508, %mul3A_506 : vector<200x512xf32>
    %add3A_510 = vector.broadcast %mul3A_20 : vector<200x1xf32> to vector<200x512xf32>
    %add3A_511 = vector.broadcast %mul3A_488 : vector<1x512xf32> to vector<200x512xf32>
    %add3A_512 = arith.addf %add3A_510, %add3A_511 : vector<200x512xf32>
    %sub3A_513 = arith.subf %mul3A_509, %add3A_512 : vector<200x512xf32>
    %lt3A_514 = vector.broadcast %add3A_485 : vector<1x512xf32> to vector<200x512xf32>
    %lt3A_515 = vector.broadcast %add3A_17 : vector<200x1xf32> to vector<200x512xf32>
    %lt3A_516 = arith.cmpf olt, %lt3A_514, %lt3A_515 : vector<200x512xf32>
    %jit3A_517 = arith.constant 0xFF800000 : f32
    %broadcast_in_dim3A_518 = vector.broadcast %jit3A_517 : f32 to vector<200x512xf32>
    %select_n3A_519 = arith.select %lt3A_516, %sub3A_513, %broadcast_in_dim3A_518 : vector<200x512xi1>, vector<200x512xf32>
    %max3A_520 = arith.maximumf %max3A_457, %select_n3A_519 : vector<200x512xf32>
    %get3A_521 = arith.constant 0 : index
    %get3A_522 = arith.constant 4096 : index
    %get3A_523 = vector.load %arg3[%get3A_521, %get3A_522] : memref<8x5120xf32, #tpu.memory_space<vmem>>, vector<1x512xf32>
    %get3A_524 = arith.constant 1 : index
    %get3A_525 = arith.constant 4096 : index
    %get3A_526 = vector.load %arg3[%get3A_524, %get3A_525] : memref<8x5120xf32, #tpu.memory_space<vmem>>, vector<1x512xf32>
    %get3A_527 = arith.constant 2 : index
    %get3A_528 = arith.constant 4096 : index
    %get3A_529 = vector.load %arg3[%get3A_527, %get3A_528] : memref<8x5120xf32, #tpu.memory_space<vmem>>, vector<1x512xf32>
    %get3A_530 = arith.constant 3 : index
    %get3A_531 = arith.constant 4096 : index
    %get3A_532 = vector.load %arg3[%get3A_530, %get3A_531] : memref<8x5120xf32, #tpu.memory_space<vmem>>, vector<1x512xf32>
    %mul3A_533 = arith.constant 5.000000e-01 : f32
    %mul3A_534 = vector.broadcast %mul3A_533 : f32 to vector<1x512xf32>
    %mul3A_535 = arith.mulf %mul3A_534, %get3A_529 : vector<1x512xf32>
    %sub3A_536 = arith.subf %get3A_523, %mul3A_535 : vector<1x512xf32>
    %mul3A_537 = arith.constant 5.000000e-01 : f32
    %mul3A_538 = vector.broadcast %mul3A_537 : f32 to vector<1x512xf32>
    %mul3A_539 = arith.mulf %mul3A_538, %get3A_532 : vector<1x512xf32>
    %sub3A_540 = arith.subf %get3A_526, %mul3A_539 : vector<1x512xf32>
    %mul3A_541 = arith.constant 5.000000e-01 : f32
    %mul3A_542 = vector.broadcast %mul3A_541 : f32 to vector<1x512xf32>
    %mul3A_543 = arith.mulf %mul3A_542, %get3A_529 : vector<1x512xf32>
    %add3A_544 = arith.addf %get3A_523, %mul3A_543 : vector<1x512xf32>
    %mul3A_545 = arith.constant 5.000000e-01 : f32
    %mul3A_546 = vector.broadcast %mul3A_545 : f32 to vector<1x512xf32>
    %mul3A_547 = arith.mulf %mul3A_546, %get3A_532 : vector<1x512xf32>
    %add3A_548 = arith.addf %get3A_526, %mul3A_547 : vector<1x512xf32>
    %sub3A_549 = arith.subf %add3A_544, %sub3A_536 : vector<1x512xf32>
    %sub3A_550 = arith.subf %add3A_548, %sub3A_540 : vector<1x512xf32>
    %mul3A_551 = arith.mulf %sub3A_549, %sub3A_550 : vector<1x512xf32>
    %max3A_552 = vector.broadcast %sub3A : vector<200x1xf32> to vector<200x512xf32>
    %max3A_553 = vector.broadcast %sub3A_536 : vector<1x512xf32> to vector<200x512xf32>
    %max3A_554 = arith.maximumf %max3A_552, %max3A_553 : vector<200x512xf32>
    %max3A_555 = vector.broadcast %sub3A_10 : vector<200x1xf32> to vector<200x512xf32>
    %max3A_556 = vector.broadcast %sub3A_540 : vector<1x512xf32> to vector<200x512xf32>
    %max3A_557 = arith.maximumf %max3A_555, %max3A_556 : vector<200x512xf32>
    %min3A_558 = vector.broadcast %add3A : vector<200x1xf32> to vector<200x512xf32>
    %min3A_559 = vector.broadcast %add3A_544 : vector<1x512xf32> to vector<200x512xf32>
    %min3A_560 = arith.minimumf %min3A_558, %min3A_559 : vector<200x512xf32>
    %min3A_561 = vector.broadcast %add3A_17 : vector<200x1xf32> to vector<200x512xf32>
    %min3A_562 = vector.broadcast %add3A_548 : vector<1x512xf32> to vector<200x512xf32>
    %min3A_563 = arith.minimumf %min3A_561, %min3A_562 : vector<200x512xf32>
    %sub3A_564 = arith.subf %min3A_560, %max3A_554 : vector<200x512xf32>
    %max3A_565 = arith.constant 0.000000e+00 : f32
    %max3A_566 = vector.broadcast %max3A_565 : f32 to vector<200x512xf32>
    %max3A_567 = arith.maximumf %sub3A_564, %max3A_566 : vector<200x512xf32>
    %sub3A_568 = arith.subf %min3A_563, %max3A_557 : vector<200x512xf32>
    %mul3A_569 = arith.mulf %max3A_567, %sub3A_568 : vector<200x512xf32>
    %mul3A_570 = arith.constant 3.000000e+00 : f32
    %mul3A_571 = vector.broadcast %mul3A_570 : f32 to vector<200x512xf32>
    %mul3A_572 = arith.mulf %mul3A_571, %mul3A_569 : vector<200x512xf32>
    %add3A_573 = vector.broadcast %mul3A_20 : vector<200x1xf32> to vector<200x512xf32>
    %add3A_574 = vector.broadcast %mul3A_551 : vector<1x512xf32> to vector<200x512xf32>
    %add3A_575 = arith.addf %add3A_573, %add3A_574 : vector<200x512xf32>
    %sub3A_576 = arith.subf %mul3A_572, %add3A_575 : vector<200x512xf32>
    %lt3A_577 = vector.broadcast %add3A_548 : vector<1x512xf32> to vector<200x512xf32>
    %lt3A_578 = vector.broadcast %add3A_17 : vector<200x1xf32> to vector<200x512xf32>
    %lt3A_579 = arith.cmpf olt, %lt3A_577, %lt3A_578 : vector<200x512xf32>
    %jit3A_580 = arith.constant 0xFF800000 : f32
    %broadcast_in_dim3A_581 = vector.broadcast %jit3A_580 : f32 to vector<200x512xf32>
    %select_n3A_582 = arith.select %lt3A_579, %sub3A_576, %broadcast_in_dim3A_581 : vector<200x512xi1>, vector<200x512xf32>
    %max3A_583 = arith.maximumf %max3A_520, %select_n3A_582 : vector<200x512xf32>
    %get3A_584 = arith.constant 0 : index
    %get3A_585 = arith.constant 4608 : index
    %get3A_586 = vector.load %arg3[%get3A_584, %get3A_585] : memref<8x5120xf32, #tpu.memory_space<vmem>>, vector<1x512xf32>
    %get3A_587 = arith.constant 1 : index
    %get3A_588 = arith.constant 4608 : index
    %get3A_589 = vector.load %arg3[%get3A_587, %get3A_588] : memref<8x5120xf32, #tpu.memory_space<vmem>>, vector<1x512xf32>
    %get3A_590 = arith.constant 2 : index
    %get3A_591 = arith.constant 4608 : index
    %get3A_592 = vector.load %arg3[%get3A_590, %get3A_591] : memref<8x5120xf32, #tpu.memory_space<vmem>>, vector<1x512xf32>
    %get3A_593 = arith.constant 3 : index
    %get3A_594 = arith.constant 4608 : index
    %get3A_595 = vector.load %arg3[%get3A_593, %get3A_594] : memref<8x5120xf32, #tpu.memory_space<vmem>>, vector<1x512xf32>
    %mul3A_596 = arith.constant 5.000000e-01 : f32
    %mul3A_597 = vector.broadcast %mul3A_596 : f32 to vector<1x512xf32>
    %mul3A_598 = arith.mulf %mul3A_597, %get3A_592 : vector<1x512xf32>
    %sub3A_599 = arith.subf %get3A_586, %mul3A_598 : vector<1x512xf32>
    %mul3A_600 = arith.constant 5.000000e-01 : f32
    %mul3A_601 = vector.broadcast %mul3A_600 : f32 to vector<1x512xf32>
    %mul3A_602 = arith.mulf %mul3A_601, %get3A_595 : vector<1x512xf32>
    %sub3A_603 = arith.subf %get3A_589, %mul3A_602 : vector<1x512xf32>
    %mul3A_604 = arith.constant 5.000000e-01 : f32
    %mul3A_605 = vector.broadcast %mul3A_604 : f32 to vector<1x512xf32>
    %mul3A_606 = arith.mulf %mul3A_605, %get3A_592 : vector<1x512xf32>
    %add3A_607 = arith.addf %get3A_586, %mul3A_606 : vector<1x512xf32>
    %mul3A_608 = arith.constant 5.000000e-01 : f32
    %mul3A_609 = vector.broadcast %mul3A_608 : f32 to vector<1x512xf32>
    %mul3A_610 = arith.mulf %mul3A_609, %get3A_595 : vector<1x512xf32>
    %add3A_611 = arith.addf %get3A_589, %mul3A_610 : vector<1x512xf32>
    %sub3A_612 = arith.subf %add3A_607, %sub3A_599 : vector<1x512xf32>
    %sub3A_613 = arith.subf %add3A_611, %sub3A_603 : vector<1x512xf32>
    %mul3A_614 = arith.mulf %sub3A_612, %sub3A_613 : vector<1x512xf32>
    %max3A_615 = vector.broadcast %sub3A : vector<200x1xf32> to vector<200x512xf32>
    %max3A_616 = vector.broadcast %sub3A_599 : vector<1x512xf32> to vector<200x512xf32>
    %max3A_617 = arith.maximumf %max3A_615, %max3A_616 : vector<200x512xf32>
    %max3A_618 = vector.broadcast %sub3A_10 : vector<200x1xf32> to vector<200x512xf32>
    %max3A_619 = vector.broadcast %sub3A_603 : vector<1x512xf32> to vector<200x512xf32>
    %max3A_620 = arith.maximumf %max3A_618, %max3A_619 : vector<200x512xf32>
    %min3A_621 = vector.broadcast %add3A : vector<200x1xf32> to vector<200x512xf32>
    %min3A_622 = vector.broadcast %add3A_607 : vector<1x512xf32> to vector<200x512xf32>
    %min3A_623 = arith.minimumf %min3A_621, %min3A_622 : vector<200x512xf32>
    %min3A_624 = vector.broadcast %add3A_17 : vector<200x1xf32> to vector<200x512xf32>
    %min3A_625 = vector.broadcast %add3A_611 : vector<1x512xf32> to vector<200x512xf32>
    %min3A_626 = arith.minimumf %min3A_624, %min3A_625 : vector<200x512xf32>
    %sub3A_627 = arith.subf %min3A_623, %max3A_617 : vector<200x512xf32>
    %max3A_628 = arith.constant 0.000000e+00 : f32
    %max3A_629 = vector.broadcast %max3A_628 : f32 to vector<200x512xf32>
    %max3A_630 = arith.maximumf %sub3A_627, %max3A_629 : vector<200x512xf32>
    %sub3A_631 = arith.subf %min3A_626, %max3A_620 : vector<200x512xf32>
    %mul3A_632 = arith.mulf %max3A_630, %sub3A_631 : vector<200x512xf32>
    %mul3A_633 = arith.constant 3.000000e+00 : f32
    %mul3A_634 = vector.broadcast %mul3A_633 : f32 to vector<200x512xf32>
    %mul3A_635 = arith.mulf %mul3A_634, %mul3A_632 : vector<200x512xf32>
    %add3A_636 = vector.broadcast %mul3A_20 : vector<200x1xf32> to vector<200x512xf32>
    %add3A_637 = vector.broadcast %mul3A_614 : vector<1x512xf32> to vector<200x512xf32>
    %add3A_638 = arith.addf %add3A_636, %add3A_637 : vector<200x512xf32>
    %sub3A_639 = arith.subf %mul3A_635, %add3A_638 : vector<200x512xf32>
    %lt3A_640 = vector.broadcast %add3A_611 : vector<1x512xf32> to vector<200x512xf32>
    %lt3A_641 = vector.broadcast %add3A_17 : vector<200x1xf32> to vector<200x512xf32>
    %lt3A_642 = arith.cmpf olt, %lt3A_640, %lt3A_641 : vector<200x512xf32>
    %jit3A_643 = arith.constant 0xFF800000 : f32
    %broadcast_in_dim3A_644 = vector.broadcast %jit3A_643 : f32 to vector<200x512xf32>
    %select_n3A_645 = arith.select %lt3A_642, %sub3A_639, %broadcast_in_dim3A_644 : vector<200x512xi1>, vector<200x512xf32>
    %max3A_646 = arith.maximumf %max3A_583, %select_n3A_645 : vector<200x512xf32>
    %reduce_max3A = arith.constant dense<0xFF800000> : vector<200xf32>
    %reduce_max3A_647 = vector.multi_reduction <maximumf>, %max3A_646, %reduce_max3A [1] : vector<200x512xf32> to vector<200xf32>
    %broadcast_in_dim3A_648 = vector.shape_cast %reduce_max3A_647 : vector<200xf32> to vector<200x1xf32>
    %gt3A = arith.constant 0.000000e+00 : f32
    %gt3A_649 = vector.broadcast %gt3A : f32 to vector<200x1xf32>
    %gt3A_650 = arith.cmpf ogt, %broadcast_in_dim3A_648, %gt3A_649 : vector<200x1xf32>
    %get3A_651 = arith.constant 0 : index
    %get3A_652 = arith.constant 0 : index
    %get3A_653 = vector.load %arg1[%get3A_651, %get3A_652] : memref<200x4xf32, #tpu.memory_space<vmem>>, vector<200x4xf32>
    %slice3A_654 = vector.extract_strided_slice %get3A_653 {offsets = [0, 0], sizes = [200, 1], strides = [1, 1]} : vector<200x4xf32> to vector<200x1xf32>
    %slice3A_655 = vector.extract_strided_slice %get3A_653 {offsets = [0, 1], sizes = [200, 1], strides = [1, 1]} : vector<200x4xf32> to vector<200x1xf32>
    %slice3A_656 = vector.extract_strided_slice %get3A_653 {offsets = [0, 2], sizes = [200, 1], strides = [1, 1]} : vector<200x4xf32> to vector<200x1xf32>
    %get3A_657 = arith.constant 0 : index
    %get3A_658 = arith.constant 0 : index
    %get3A_659 = vector.load %arg4[%get3A_657, %get3A_658] : memref<200x24xi32, #tpu.memory_space<vmem>>, vector<200x24xi32>
    %slice3A_660 = vector.extract_strided_slice %get3A_659 {offsets = [0, 23], sizes = [200, 1], strides = [1, 1]} : vector<200x24xi32> to vector<200x1xi32>
    %convert_element_type3A = arith.sitofp %slice3A_660 : vector<200x1xi32> to vector<200x1xf32>
    %sub3A_661 = arith.subf %slice3A_654, %convert_element_type3A : vector<200x1xf32>
    %gt3A_662 = arith.constant 1.000000e+01 : f32
    %gt3A_663 = vector.broadcast %gt3A_662 : f32 to vector<200x1xf32>
    %gt3A_664 = arith.cmpf ogt, %sub3A_661, %gt3A_663 : vector<200x1xf32>
    %gt3A_665 = arith.constant 3.000000e-01 : f32
    %gt3A_666 = vector.broadcast %gt3A_665 : f32 to vector<200x1xf32>
    %gt3A_667 = arith.cmpf ogt, %slice3A_655, %gt3A_666 : vector<200x1xf32>
    %or3A = arith.ori %gt3A_664, %gt3A_667 : vector<200x1xi1>
    %not3A = arith.constant dense<true> : vector<200x1xi1>
    %not3A_668 = arith.xori %gt3A_650, %not3A : vector<200x1xi1>
    %and3A = arith.andi %or3A, %not3A_668 : vector<200x1xi1>
    %gt3A_669 = arith.constant 8.000000e-01 : f32
    %gt3A_670 = vector.broadcast %gt3A_669 : f32 to vector<200x1xf32>
    %gt3A_671 = arith.cmpf ogt, %slice3A_656, %gt3A_670 : vector<200x1xf32>
    %and3A_672 = arith.andi %and3A, %gt3A_671 : vector<200x1xi1>
    %convert_element_type3A_673 = arith.extui %and3A_672 : vector<200x1xi1> to vector<200x1xi32>
    %swap3A = arith.constant 0 : index
    %swap3A_674 = arith.constant 0 : index
    %swap3A_675 = vector.load %arg8[%swap3A, %swap3A_674] : memref<200x1xi32, #tpu.memory_space<vmem>>, vector<200x1xi32>
    tpu.vector_store %arg8[%swap3A, %swap3A_674], %convert_element_type3A_673 {strides = array<i32>} : memref<200x1xi32, #tpu.memory_space<vmem>>, vector<200x1xi32>,
    %jit3A_676 = arith.constant 0.000000e+00 : f32
    %broadcast_in_dim3A_677 = vector.broadcast %jit3A_676 : f32 to vector<200x1xf32>
    %select_n3A_678 = arith.select %and3A_672, %broadcast_in_dim3A_677, %slice3A_655 : vector<200x1xi1>, vector<200x1xf32>
    %swap3A_679 = arith.constant 0 : index
    %swap3A_680 = arith.constant 0 : index
    %swap3A_681 = vector.load %arg12[%swap3A_679, %swap3A_680] : memref<200x1xf32, #tpu.memory_space<vmem>>, vector<200x1xf32>
    tpu.vector_store %arg12[%swap3A_679, %swap3A_680], %select_n3A_678 {strides = array<i32>} : memref<200x1xf32, #tpu.memory_space<vmem>>, vector<200x1xf32>,
    %slice3A_682 = vector.extract_strided_slice %get3A_659 {offsets = [0, 1], sizes = [200, 23], strides = [1, 1]} : vector<200x24xi32> to vector<200x23xi32>
    %convert_element_type3A_683 = arith.fptosi %slice3A_654 : vector<200x1xf32> to vector<200x1xi32>
    %concatenate3A = tpu.concatenate %slice3A_682, %convert_element_type3A_683 in 1 : vector<200x23xi32>, vector<200x1xi32> -> vector<200x24xi32>
    %broadcast_in_dim3A_684 = vector.shape_cast %and3A_672 : vector<200x1xi1> to vector<200x1xi1>
    %broadcast_in_dim3A_685 = vector.broadcast %broadcast_in_dim3A_684 : vector<200x1xi1> to vector<200x24xi1>
    %select_n3A_686 = arith.select %broadcast_in_dim3A_685, %concatenate3A, %get3A_659 : vector<200x24xi1>, vector<200x24xi32>
    %swap3A_687 = arith.constant 0 : index
    %swap3A_688 = arith.constant 0 : index
    %swap3A_689 = vector.load %arg10[%swap3A_687, %swap3A_688] : memref<200x24xi32, #tpu.memory_space<vmem>>, vector<200x24xi32>
    tpu.vector_store %arg10[%swap3A_687, %swap3A_688], %select_n3A_686 {strides = array<i32>} : memref<200x24xi32, #tpu.memory_space<vmem>>, vector<200x24xi32>,
    %get3A_690 = arith.constant 0 : index
    %get3A_691 = arith.constant 0 : index
    %get3A_692 = vector.load %arg5[%get3A_690, %get3A_691] : memref<200x24xi8, #tpu.memory_space<vmem>>, vector<200x24xi8>
    %convert_element_type3A_693 = arith.extui %get3A_692 : vector<200x24xi8> to vector<200x24xi32>
    %slice3A_694 = vector.extract_strided_slice %convert_element_type3A_693 {offsets = [0, 1], sizes = [200, 23], strides = [1, 1]} : vector<200x24xi32> to vector<200x23xi32>
    %broadcast_in_dim3A_695 = arith.constant 0 : i32
    %broadcast_in_dim3A_696 = vector.broadcast %broadcast_in_dim3A_695 : i32 to vector<200x1xi32>
    %concatenate3A_697 = tpu.concatenate %slice3A_694, %broadcast_in_dim3A_696 in 1 : vector<200x23xi32>, vector<200x1xi32> -> vector<200x24xi32>
    %broadcast_in_dim3A_698 = vector.shape_cast %and3A_672 : vector<200x1xi1> to vector<200x1xi1>
    %broadcast_in_dim3A_699 = vector.broadcast %broadcast_in_dim3A_698 : vector<200x1xi1> to vector<200x24xi1>
    %select_n3A_700 = arith.select %broadcast_in_dim3A_699, %concatenate3A_697, %convert_element_type3A_693 : vector<200x24xi1>, vector<200x24xi32>
    %convert_element_type3A_701 = arith.trunci %select_n3A_700 : vector<200x24xi32> to vector<200x24xi8>
    %swap3A_702 = arith.constant 0 : index
    %swap3A_703 = arith.constant 0 : index
    %swap3A_704 = vector.load %arg11[%swap3A_702, %swap3A_703] : memref<200x24xi8, #tpu.memory_space<vmem>>, vector<200x24xi8>
    tpu.vector_store %arg11[%swap3A_702, %swap3A_703], %convert_element_type3A_701 {strides = array<i32>} : memref<200x24xi8, #tpu.memory_space<vmem>>, vector<200x24xi8>,
    %get3A_705 = arith.constant 0 : index
    %get3A_706 = arith.constant 0 : index
    %get3A_707 = vector.load %arg6[%get3A_705, %get3A_706] : memref<200x256xf32, #tpu.memory_space<vmem>>, vector<200x256xf32>
    %get3A_708 = arith.constant 0 : index
    %get3A_709 = arith.constant 0 : index
    %get3A_710 = vector.load %arg7[%get3A_708, %get3A_709] : memref<200x256xf32, #tpu.memory_space<vmem>>, vector<200x256xf32>
    %broadcast_in_dim3A_711 = vector.shape_cast %and3A_672 : vector<200x1xi1> to vector<200x1xi1>
    %broadcast_in_dim3A_712 = vector.broadcast %broadcast_in_dim3A_711 : vector<200x1xi1> to vector<200x256xi1>
    %select_n3A_713 = arith.select %broadcast_in_dim3A_712, %get3A_710, %get3A_707 : vector<200x256xi1>, vector<200x256xf32>
    %swap3A_714 = arith.constant 0 : index
    %swap3A_715 = arith.constant 0 : index
    %swap3A_716 = vector.load %arg9[%swap3A_714, %swap3A_715] : memref<200x256xf32, #tpu.memory_space<vmem>>, vector<200x256xf32>
    tpu.vector_store %arg9[%swap3A_714, %swap3A_715], %select_n3A_713 {strides = array<i32>} : memref<200x256xf32, #tpu.memory_space<vmem>>, vector<200x256xf32>,
    return
  }
  func.func @transform_0(%arg0: i32) -> (i32, i32) {
    %c0_i32 = arith.constant 0 : i32
    %c0_i32_0 = arith.constant 0 : i32
    return %arg0, %c0_i32 : i32, i32
  }
  func.func @transform_1(%arg0: i32) -> (i32, i32) {
    %c0_i32 = arith.constant 0 : i32
    %c0_i32_0 = arith.constant 0 : i32
    return %arg0, %c0_i32 : i32, i32
  }
  func.func @transform_2(%arg0: i32) -> (i32, i32) {
    %c0_i32 = arith.constant 0 : i32
    %c0_i32_0 = arith.constant 0 : i32
    %c0_i32_1 = arith.constant 0 : i32
    return %c0_i32, %c0_i32_0 : i32, i32
  }
  func.func @transform_3(%arg0: i32) -> (i32, i32) {
    %c0_i32 = arith.constant 0 : i32
    %c0_i32_0 = arith.constant 0 : i32
    return %arg0, %c0_i32 : i32, i32
  }
  func.func @transform_4(%arg0: i32) -> (i32, i32) {
    %c0_i32 = arith.constant 0 : i32
    %c0_i32_0 = arith.constant 0 : i32
    return %arg0, %c0_i32 : i32, i32
  }
  func.func @transform_5(%arg0: i32) -> (i32, i32) {
    %c0_i32 = arith.constant 0 : i32
    %c0_i32_0 = arith.constant 0 : i32
    return %arg0, %c0_i32 : i32, i32
  }
  func.func @transform_6(%arg0: i32) -> (i32, i32) {
    %c0_i32 = arith.constant 0 : i32
    %c0_i32_0 = arith.constant 0 : i32
    return %arg0, %c0_i32 : i32, i32
  }
  func.func @transform_7(%arg0: i32) -> (i32, i32) {
    %c0_i32 = arith.constant 0 : i32
    %c0_i32_0 = arith.constant 0 : i32
    return %arg0, %c0_i32 : i32, i32
  }
  func.func @transform_8(%arg0: i32) -> (i32, i32) {
    %c0_i32 = arith.constant 0 : i32
    %c0_i32_0 = arith.constant 0 : i32
    return %arg0, %c0_i32 : i32, i32
  }
  func.func @transform_9(%arg0: i32) -> (i32, i32) {
    %c0_i32 = arith.constant 0 : i32
    %c0_i32_0 = arith.constant 0 : i32
    return %arg0, %c0_i32 : i32, i32
  }
  func.func @transform_10(%arg0: i32) -> (i32, i32) {
    %c0_i32 = arith.constant 0 : i32
    %c0_i32_0 = arith.constant 0 : i32
    return %arg0, %c0_i32 : i32, i32
  }
  func.func @transform_11(%arg0: i32) -> (i32, i32) {
    %c0_i32 = arith.constant 0 : i32
    %c0_i32_0 = arith.constant 0 : i32
    return %arg0, %c0_i32 : i32, i32
  }
}

</mosaic_0001>

<sc_bundles>
// kernel: kernel.4.cloned.1.call-start
scs
__scs_entry_jumppad:
0x0: {  	(pc) =	sbr.rel $0x88, $3  }
0x1: {  	(tag) =	ssettag $0x0;
	lr =	simm.s32 $0x1  }
0x2: {  	[smem:$0x3F99] =	sst lr;
	_ =	strace $0xD0000000  }
0x3: {  	_ = 	snop  }
0x4: {  	_ = 	snop  }
0x5: {  	_ = 	snop  }
0x6: {  	_ = 	snop  }
0x7: {  	_ = 	snop  }
__scs_overlays_trampoline_lowered:
0x8: {  	[smem:$0x3FA8] =	sst s0  }
0x9: {  	[smem:$0x3FA9] =	sst s1  }
0xa: {  	[smem:$0x3FAA] =	sst s2  }
0xb: {  	[smem:$0x3FAB] =	sst s3  }
0xc: {  	[smem:$0x3FAC] =	sst s4  }
0xd: {  	[smem:$0x3FAD] =	sst s5  }
0xe: {  	[smem:$0x3FAE] =	sst s6  }
0xf: {  	[smem:$0x3FAF] =	sst s7  }
0x10: {  	[smem:$0x3FB0] =	sst s8  }
0x11: {  	[smem:$0x3FB1] =	sst s9;
	s0 =	simm.s32 @!p0 $0x0  }
0x12: {  	s1 =	sld [smem:$0x3F97];
	s0 =	simm.s32 @p0 $0x1  }
0x13: {  	[smem:$0x3FB2] =	sst s0;
	s0 =	simm.s32 @!p1 $0x0  }
0x14: {  	s2 =	sld [smem:$0x3F96];
	s0 =	simm.s32 @p1 $0x1  }
0x15: {  	[smem:$0x3FB3] =	sst s0;
	s0 =	simm.s32 @!p2 $0x0  }
0x16: {  	s3 =	sld [smem:$0x3FDB];
	s0 =	simm.s32 @p2 $0x1  }
0x17: {  	s4 =	simm.s32 $0x1BF5;
	[smem:$0x3FB5] =	sst s0  }
0x18: {  	s0 =	sld [smem:$0x3F98];
	_ =	swait.ge [sflag:s4], $0x0  }
0x19: {  	s7 =	sld [smem:$0x3F99]  }
0x1a: {  	s8 =	sadd.s32 $0xFFFFE003, lr  }
0x1b: {  	s9 =	sadd.s32 $0xFFFFFEF7, lr;
	s5 =	simm.s32 $0xFFFFFFFF;
	p2 =	slt.u32 s8, $0xFFFFF086  }
0x1c: {  	p1 =	slt.u32 s9, $0xF7A;
	s5 =	simm.s32 @!p2 $0x0  }
0x1d: {  	s5 =	simm.s32 @p1 $0x1;
	p0 =	seq.s32 s7, s2  }
0x1e: {  	s7 =	smul.u32 @!p0 $0xF7A, s2;
	p2 =	seq.s32 @!p0 s5, $0x0  }
0x1f: {  	s9 =	smul.u32 $0xF7A, s1;
	s8 =	simm.s32 @!p0 $0x1BF5;
	p2 =	por !p2, p0  }
0x20: {  	[sflag:s8] =	ssyncset.s32 @!p0 $0xFFFFF086;
	s6 =	sadd.s32 @!p0 s3, s7;
	s7 =	simm.s32 @!p0 $0x108  }
0x21: {  	s3 =	sadd.s32 s3, s9;
	s6 =	sadd.s32 @!p0 $0x88, s6;
	s7 =	simm.s32 @p2 $0x1082  }
0x22: {  	[simem:s7], [sflag:s8] =	dma.local @!p0 [hbm:s6], $0xF7A  }
0x23: {  	s9 =	sor.u32 $0xD0000000, s2;
	s6 =	simm.s32 $0x108;
	_ =	swait.ge @!p0 [sflag:s8], $0x0  }
0x24: {  	s3 =	sadd.s32 $0x88, s3;
	s6 =	simm.s32 @!p1 $0x1082;
	[sflag:s4] =	ssyncset.s32 $0xFFFFF086  }
0x25: {  	[simem:s6], [sflag:s4] =	dma.local [hbm:s3], $0xF7A  }
0x26: {  	[smem:$0x3F99] =	sst s1;
	(tag) =	ssettag s2;
	_ =	strace s9  }
0x27: {  	s1 =	sld [smem:$0x3FA9]  }
0x28: {  	s2 =	sld [smem:$0x3FAA]  }
0x29: {  	s4 =	sld [smem:$0x3FAC]  }
0x2a: {  	p0 =	seq.s32 s5, $0x0;
	s5 =	sld [smem:$0x3FAD]  }
0x2b: {  	s6 =	sld [smem:$0x3FAE]  }
0x2c: {  	s7 =	sld [smem:$0x3FAF]  }
0x2d: {  	s3 =	simm.s32 $0x108;
	s8 =	sld [smem:$0x3FB0]  }
0x2e: {  	s3 =	simm.s32 @!p0 $0x1082;
	s9 =	sld [smem:$0x3FB1]  }
0x2f: {  	lr =	sadd.s32 s0, s3;
	s0 =	sld [smem:$0x3FA8]  }
0x30: {  	s3 =	sld [smem:$0x3FAB]  }
0x31: {  	[smem:$0x3FB4] =	sst s10  }
0x32: {  	s10 =	sld [smem:$0x3FB2];
	_ =	sdelay $0x3  }
0x33: {  	p0 =	seq.s32 s10, $0x1;
	s10 =	sld [smem:$0x3FB4];
	_ =	sdelay $0x3  }
0x34: {  	[smem:$0x3FB4] =	sst s10  }
0x35: {  	s10 =	sld [smem:$0x3FB3];
	_ =	sdelay $0x3  }
0x36: {  	p1 =	seq.s32 s10, $0x1;
	s10 =	sld [smem:$0x3FB4];
	_ =	sdelay $0x3  }
0x37: {  	[smem:$0x3FB4] =	sst s10  }
0x38: {  	s10 =	sld [smem:$0x3FB5]  }
0x39: {  	_ = 	snop;
	(pc) =	sbr.ind lr, $3  }
0x3a: {  	_ = 	snop  }
0x3b: {  	_ = 	snop  }
0x3c: {  	p2 =	seq.s32 s10, $0x1;
	s10 =	sld [smem:$0x3FB4]  }
0x3d: {  	_ =	shalt  }
0x3e: {  	_ =	shalt  }
0x3f: {  	_ =	shalt  }
0x40: {  	_ =	shalt  }
0x41: {  	_ =	shalt  }
0x42: {  	_ =	shalt  }
0x43: {  	_ =	shalt  }
0x44: {  	_ =	shalt  }
0x45: {  	_ =	shalt  }
0x46: {  	_ =	shalt  }
0x47: {  	_ =	shalt  }
0x48: {  	_ =	shalt  }
0x49: {  	_ =	shalt  }
0x4a: {  	_ =	shalt  }
0x4b: {  	_ =	shalt  }
0x4c: {  	_ =	shalt  }
0x4d: {  	_ =	shalt  }
0x4e: {  	_ =	shalt  }
0x4f: {  	_ =	shalt  }
0x50: {  	_ =	shalt  }
0x51: {  	_ =	shalt  }
0x52: {  	_ =	shalt  }
0x53: {  	_ =	shalt  }
0x54: {  	_ =	shalt  }
0x55: {  	_ =	shalt  }
0x56: {  	_ =	shalt  }
0x57: {  	_ =	shalt  }
0x58: {  	_ =	shalt  }
0x59: {  	_ =	shalt  }
0x5a: {  	_ =	shalt  }
0x5b: {  	_ =	shalt  }
0x5c: {  	_ =	shalt  }
0x5d: {  	_ =	shalt  }
0x5e: {  	_ =	shalt  }
0x5f: {  	_ =	shalt  }
0x60: {  	_ =	shalt  }
0x61: {  	_ =	shalt  }
0x62: {  	_ =	shalt  }
0x63: {  	_ =	shalt  }
0x64: {  	_ =	shalt  }
0x65: {  	_ =	shalt  }
0x66: {  	_ =	shalt  }
0x67: {  	_ =	shalt  }
0x68: {  	_ =	shalt  }
0x69: {  	_ =	shalt  }
0x6a: {  	_ =	shalt  }
0x6b: {  	_ =	shalt  }
0x6c: {  	_ =	shalt  }
0x6d: {  	_ =	shalt  }
0x6e: {  	_ =	shalt  }
0x6f: {  	_ =	shalt  }
0x70: {  	_ =	shalt  }
0x71: {  	_ =	shalt  }
0x72: {  	_ =	shalt  }
0x73: {  	_ =	shalt  }
0x74: {  	_ =	shalt  }
0x75: {  	_ =	shalt  }
0x76: {  	_ =	shalt  }
0x77: {  	_ =	shalt  }
0x78: {  	_ =	shalt  }
0x79: {  	_ =	shalt  }
0x7a: {  	_ =	shalt  }
0x7b: {  	_ =	shalt  }
0x7c: {  	_ =	shalt  }
0x7d: {  	_ =	shalt  }
0x7e: {  	_ =	shalt  }
0x7f: {  	_ =	shalt  }
0x80: {  	_ =	shalt  }
0x81: {  	_ =	shalt  }
0x82: {  	_ =	shalt  }
0x83: {  	_ =	shalt  }
0x84: {  	_ =	shalt  }
0x85: {  	_ =	shalt  }
0x86: {  	_ =	shalt  }
0x87: {  	_ =	shalt  }
.Lfunc_end0:
.L_simem_size_0:
called_computation.1_lowered:
.L_overlay_start_0:
0x88: {  	s2 =	sld [smem:$0x3FD9]  }
0x89: {  	s3 =	sld [smem:$0x3FFE];
	_ =	sdelay $0x1  }
0x8a: {  	s1 =	srdreg.scid  }
0x8b: {  	s0 =	sand.u32 $0x1, s1  }
0x8c: {  	s14 =	sshll.u32 s0, $0xA;
	s2 =	sadd.s32 s3, s2  }
0x8d: {  	s2 =	sadd.s32 s2, s14  }
0x8e: {  	[smem:$0x3FC0] =	sst s2  }
0x8f: {  	_ = 	snop  }
0x90: {  	s2 =	sld [smem:$0x3FD0];
	_ =	sdelay $0x2  }
0x91: {  	s15 =	simm.s32 $0xA;
	s4 =	simm.s32 $0x10  }
0x92: {  	[smem:s4], [sflag:s15] =	dma.local [hbm:s2], $0x1  }
0x93: {  	_ =	swait.eq [sflag:s15], $0x1  }
0x94: {  	[sflag:s15] =	ssyncset.done $0x0  }
0x95: {  	[sflag:s15] =	ssyncadd.s32 $0xFFFFFFFF  }
0x96: {  	s16 =	sld [smem:$0x10];
	(tm) =	ssettm $0x1  }
0x97: {  	s17 =	sld [smem:$0x3FFB];
	_ =	sdelay $0x3  }
0x98: {  	_ =	strace s17  }
0x99: {  	s3 =	sld [smem:$0x3FFC];
	_ =	sdelay $0x3  }
0x9a: {  	_ =	strace s3  }
0x9b: {  	s3 =	sld [smem:$0x3FFD];
	_ =	sdelay $0x3  }
0x9c: {  	_ =	strace s3  }
0x9d: {  	_ =	strace $0x8FFFFFFF  }
0x9e: {  	s18 =	sld [smem:$0x3FDB];
	_ =	sdelay $0x1  }
0x9f: {  	s19 =	simm.s32 $_scs_section_size  }
0xa0: {  	s5 =	simm.s32 $_size__tile_overlayer_lowered;
	s6 =	simm.s32 $_tile_overlayer_lowered  }
0xa1: {  	s22 =	simm.s32 $0x1BFF;
	s21 =	sshll.u32 s6, $0x1;
	s3 =	sadd.s32 s19, s18  }
0xa2: {  	s7 =	simm.s32 $0x0;
	s20 =	sshll.u32 s5, $0x1;
	s5 =	sadd.s32 s21, s3  }
0xa3: {  	[timem:s7], [sflag:s22] =	dma.local [hbm:s5], s20  }
0xa4: {  	_ =	swait.ge [sflag:s22], s20  }
0xa5: {  	s4 =	ssub.s32 $0x0, s20;
	[sflag:s22] =	ssyncset.done $0x0  }
0xa6: {  	[sflag:s22] =	ssyncadd.s32 s4;
	_ =	sdelay $0x1  }
0xa7: {  	s23 =	simm.s32 $0x1B8B  }
0xa8: {  	_ =	swait.ge [sflag:s23], $0x1  }
0xa9: {  	[sflag:s23] =	ssyncset.done $0x0  }
0xaa: {  	s25 =	simm.s32 $0x1B8E;
	s24 =	sld [smem:$0x3FFE];
	[sflag:s23] =	ssyncadd.s32 $0xFFFFFFFF  }
0xab: {  	s26 =	simm.s32 $execute0_lowered;
	[smem:$0x3FD2] =	sst s25  }
0xac: {  	s5 =	sshll.u32 s26, $0x1;
	_ =	strace $0x80000049;
	[dreg:$0x1] =	wrdreg $0xFFFFFFFF  }
0xad: {  	s28 =	simm.s32 $_size_execute0_lowered;
	s3 =	sadd.s32 s3, s5;
	[dreg:$0x0] =	wrdreg $0x0  }
0xae: {  	s5 =	sshll.u32 s28, $0x1;
	[dreg:$0x2] =	wrdreg s3  }
0xaf: {  	[dreg:$0x3] =	wrdreg s5  }
0xb0: {  	[dreg:$0x4] =	wrdreg $0xC0  }
0xb1: {  	_ =	task [dreg:s7], $0x5FFFF  }
0xb2: {  	[dreg:$0x1] =	wrdreg $0xFFFFFFFF  }
0xb3: {  	[dreg:$0x0] =	wrdreg $0x60  }
0xb4: {  	[dreg:$0x2] =	wrdreg s24  }
0xb5: {  	[dreg:$0x3] =	wrdreg s16  }
0xb6: {  	[dreg:$0x4] =	wrdreg $0x9  }
0xb7: {  	_ =	task.clear_ibuf [dreg:s7], $0x5FFFF;
	_ =	strace $0x90000049  }
0xb8: {  	s29 =	simm.s32 $0x9;
	_ =	strace $0x8000004B  }
0xb9: {  	_ =	swait.ge [sflag:s29], $0x1  }
0xba: {  	[sflag:s29] =	ssyncadd.s32 $0xFFFFFFFF  }
0xbb: {  	_ =	strace $0x9000004B  }
0xbc: {  	_ =	sfence  }
0xbd: {  	s30 =	sld [smem:$0x0];
	_ =	sdelay $0x2  }
0xbe: {  	s31 =	sshll.u32 s1, $0xD;
	s1 =	sshrl.u32 s1, $0x2  }
0xbf: {  	s3 =	sand.u32 $0x4000, s31;
	s1 =	sadd.s32 s1, s30  }
0xc0: {  	s0 =	sor.u32 s3, s0;
	s1 =	sshll.u32 s1, $0x11  }
0xc1: {  	s0 =	sor.u32 s1, s0  }
0xc2: {  	s0 =	sadd.s32 $0x8F2B, s0  }
0xc3: {  	[sflag:s0] =	ssyncadd.remote.s32 $0x1  }
0xc4: {  	_ =	sfence.sel $0xFFFF  }
0xc5: {  	[dreg:$0x0] =	wrdreg $0xFFFFFFFF;
	(pc) =	sbr.abs _section_cstart, $3  }
0xc6: {  	[dreg:$0x1] =	wrdreg $0xFFFFFFFF  }
0xc7: {  	_ =	task.clear_ibuf [dreg:s7], $0x2FFFF;
	_ =	strace $0x9FFFFFFF  }
0xc8: {  	(tm) =	ssettm $0x7FFFFFFF  }
0xc9: {  	_ =	shalt  }
tec
execute0_lowered:
.L_overlay_start_1:
0x0: {  	(tag) =	ssettag $0x1  }
0x1: {  	s0 =	srdreg.scid  }
0x2: {  	s6 =	stileid.u32;
	s3 =	rddreg [dreg:$0x0]  }
0x3: {  	s31 =	rddreg [dreg:$0x1];
	s5 =	simm.s32 $0x0;
	s11 =	simm.s32 $0x1  }
0x4: {  	s0 =	sand.u32 $0x1, s0;
	s1 =	sshll.u32 s6, $0x1;
	s2 =	smul.u32 $0x140, s6  }
0x5: {  	s12 =	simm.s32 $0x2;
	s1 =	sor.u32 s0, s1;
	s4 =	smul.u32 $0xA0, s0  }
0x6: {  	[smem:$0x7FF] =	sst s5;
	s0 =	ssub.s32 $0x2, s0;
	s1 =	smul.u32 $0xA0, s1  }
0x7: {  	_ =	strace $0x8000004A;
	s24 =	sshrl.u32 s0, $0x1;
	s2 =	sadd.s32 s4, s2  }
0x8: {  	s0 =	ssub.s32 s0, s24;
	s1 =	smin.u32 s1, $0x12E8;
	s2 =	smin.u32 s2, $0x12E8  }
0x9: {  	s0 =	smax.u32 s0, $0x1;
	s1 =	sshrl.u32 s1, $0x3;
	s22 =	smul.u32 $0x300, s2  }
0xa: {  	s23 =	sshll.u32 s2, $0x5;
	s25 =	smul.u32 $0x18, s2;
	s1 =	sadd.s32 s1, s3  }
0xb: {  	[smem:$0x7FB] =	sst s0;
	s5 =	sadd.s32 s23, s3;
	s1 =	sadd.s32 $0x54E00, s1  }
0xc: {  	s30 =	sshll.u32 s6, $0x6;
	s26 =	sadd.s32 $0x2DDE0, s5;
	[smem:$0x7FA] =	sst s1  }
0xd: {  	s3 =	sadd.s32 s22, s3;
	s29 =	sadd.s32 $0x168, s25;
	[smem:$0x7FC] =	sst s26  }
0xe: {  	s9 =	sor.u32 $0x1C01, s30;
	s28 =	sadd.s32 $0x55200, s3;
	[smem:$0x7FD] =	sst s29  }
0xf: {  	s10 =	sor.u32 $0x1C02, s30;
	s1 =	simm.s32 $0x0;
	[dreg:$0x3] =	wrdreg s28  }
.LBB2_1:
0x10: {  	s23 =	sld [smem:$0x7FA];
	_ =	sdelay $0x1  }
0x11: {  	[smem:$0x7F9] =	sst s1;
	s0 =	simm.s32 $0x0;
	s24 =	simm.s32 $0x3  }
0x12: {  	[tilespmem:s0], [sflag:$0x3] =	stream.linear.gather [hbm4b:s23+s0], $0xA0, $0x38;
	[tilespmem:$0xA0] =	vst v63  }
0x13: {  	_ =	swait.ge [sflag:s24], $0xA0  }
0x14: {  	[sflag:s24] =	ssyncset.done $0x0  }
0x15: {  	[sflag:s24] =	ssyncadd.s32 $0xFFFFFF60  }
0x16: {  	v0 =	vld [tilespmem:s0+$0x0];
	_ =	sdelay $0x1  }
0x17: {  	s23 =	sld [smem:$0x7FD];
	_ =	sdelay $0x2  }
0x18: {  	v0 =	vadd.s32 s23, v0  }
0x19: {  	v0 =	vshll.u32 v0, $0x5  }
0x1a: {  	(v2sf) =	vpush v0, $0x1  }
0x1b: {  	(v2sf) =	vpush v0, $0xA  }
0x1c: {  	(v2sf) =	vpush v0, $0x0  }
0x1d: {  	(v2sf) =	vpush v0, $0x2  }
0x1e: {  	(v2sf) =	vpush v0, $0xB  }
0x1f: {  	(v2sf) =	vpush v0, $0x3  }
0x20: {  	(v2sf) =	vpush v0, $0x5  }
0x21: {  	(v2sf) =	vpush v0, $0x7  }
0x22: {  	(v2sf) =	vpush v0, $0x4  }
0x23: {  	(v2sf) =	vpush v0, $0xC  }
0x24: {  	(v2sf) =	vpush v0, $0x6  }
0x25: {  	(v2sf) =	vpush v0, $0xE  }
0x26: {  	(v2sf) =	vpush v0, $0x9  }
0x27: {  	(v2sf) =	vpush v0, $0x8  }
0x28: {  	(v2sf) =	vpush v0, $0xD  }
0x29: {  	s14 =	spop (v2sf);
	(v2sf) =	vpush v0, $0xF  }
0x2a: {  	s6 =	spop (v2sf)  }
0x2b: {  	s25 =	spop (v2sf)  }
0x2c: {  	s15 =	spop (v2sf)  }
0x2d: {  	s2 =	rddreg [dreg:$0x3];
	s14 =	sadd.s32 $0xFFFFD600, s14;
	s5 =	spop (v2sf)  }
0x2e: {  	s14 =	sand.u32 $0x1FFFFFE0, s14;
	s6 =	sadd.s32 $0xFFFFF100, s6;
	s16 =	spop (v2sf)  }
0x2f: {  	s0 =	sadd.s32 $0xFFFFD300, s25;
	s14 =	sadd.s32 s31, s14;
	s17 =	spop (v2sf)  }
0x30: {  	s6 =	sand.u32 $0x1FFFFFE0, s6;
	s20 =	sand.u32 $0x1FFFFFE0, s0;
	s8 =	spop (v2sf)  }
0x31: {  	s0 =	sadd.s32 $0x0, s2;
	s6 =	sadd.s32 s31, s6;
	s18 =	spop (v2sf)  }
0x32: {  	s20 =	sadd.s32 s31, s20;
	s26 =	sadd.s32 $0x2E0, s0;
	s3 =	spop (v2sf)  }
0x33: {  	s28 =	sadd.s32 $0x300, s0;
	s29 =	sadd.s32 $0x5E0, s0;
	s19 =	spop (v2sf)  }
0x34: {  	s25 =	sadd.s32 $0x8E0, s0;
	s5 =	sadd.s32 $0xFFFFF400, s5;
	s1 =	spop (v2sf)  }
0x35: {  	s5 =	sand.u32 $0x1FFFFFE0, s5;
	s8 =	sadd.s32 $0xFFFFE800, s8;
	s7 =	spop (v2sf)  }
0x36: {  	s5 =	sadd.s32 s31, s5;
	s8 =	sand.u32 $0x1FFFFFE0, s8;
	s13 =	spop (v2sf)  }
0x37: {  	s8 =	sadd.s32 s31, s8;
	s3 =	sadd.s32 $0xFFFFF700, s3;
	s4 =	spop (v2sf)  }
0x38: {  	s3 =	sand.u32 $0x1FFFFFE0, s3;
	s1 =	sadd.s32 $0xFFFFFD00, s1;
	s2 =	spop (v2sf)  }
0x39: {  	[hbm:s0], [sflag:s9] =	dma.local [hbm:s20], $0x2E0  }
0x3a: {  	s7 =	sadd.s32 $0xFFFFEE00, s7;
	s1 =	sand.u32 $0x1FFFFFE0, s1;
	s22 =	sld [smem:$0x7FC]  }
0x3b: {  	s3 =	sadd.s32 s31, s3;
	s7 =	sand.u32 $0x1FFFFFE0, s7;
	s1 =	sadd.s32 s31, s1  }
0x3c: {  	s7 =	sadd.s32 s31, s7;
	s20 =	sadd.s32 $0xFFFFD900, s15;
	s2 =	sand.u32 $0x1FFFFFE0, s2  }
0x3d: {  	s15 =	sadd.s32 $0x14E0, s0;
	s2 =	sadd.s32 s31, s2;
	s21 =	sadd.s32 $0xFFFFFE20, s22  }
0x3e: {  	[hbm:s26], [sflag:s10] =	dma.local [hbm:s21], $0x20  }
0x3f: {  	s30 =	sadd.s32 $0xFFFFFE40, s22;
	s24 =	sadd.s32 $0xFFFFFE60, s22;
	s21 =	sadd.s32 $0x600, s0  }
0x40: {  	s26 =	sadd.s32 $0xFFFFDC00, s16;
	s16 =	sadd.s32 $0xFFFFDF00, s18;
	s18 =	sadd.s32 $0xC00, s0  }
0x41: {  	[hbm:s28], [sflag:s9] =	dma.local [hbm:s14], $0x2E0  }
0x42: {  	s14 =	sand.u32 $0x1FFFFFE0, s20;
	s28 =	sadd.s32 $0x900, s0;
	s20 =	sadd.s32 $0xEE0, s0  }
0x43: {  	[hbm:s29], [sflag:s10] =	dma.local [hbm:s30], $0x20  }
0x44: {  	s14 =	sadd.s32 s31, s14;
	s29 =	sadd.s32 $0xBE0, s0;
	s30 =	sadd.s32 $0xFFFFFE80, s22  }
0x45: {  	[hbm:s21], [sflag:s9] =	dma.local [hbm:s14], $0x2E0  }
0x46: {  	s14 =	sand.u32 $0x1FFFFFE0, s26;
	s21 =	sadd.s32 $0xFFFFFEA0, s22;
	s26 =	sadd.s32 $0x11E0, s0  }
0x47: {  	[hbm:s25], [sflag:s10] =	dma.local [hbm:s24], $0x20  }
0x48: {  	s14 =	sadd.s32 s31, s14;
	s24 =	sadd.s32 $0xFFFFE200, s17;
	s25 =	sadd.s32 $0xF00, s0  }
0x49: {  	[hbm:s28], [sflag:s9] =	dma.local [hbm:s14], $0x2E0  }
0x4a: {  	s17 =	sadd.s32 $0x1500, s0;
	s14 =	sand.u32 $0x1FFFFFE0, s16;
	s28 =	sadd.s32 $0xFFFFFEC0, s22  }
0x4b: {  	[hbm:s29], [sflag:s10] =	dma.local [hbm:s30], $0x20  }
0x4c: {  	s16 =	sadd.s32 $0xFFFFFEE0, s22;
	s14 =	sadd.s32 s31, s14;
	s29 =	sadd.s32 $0xFFFFE500, s19  }
0x4d: {  	[hbm:s18], [sflag:s9] =	dma.local [hbm:s14], $0x2E0  }
0x4e: {  	s30 =	sadd.s32 $0x1200, s0;
	s19 =	sadd.s32 $0xFFFFFF00, s22;
	s14 =	sand.u32 $0x1FFFFFE0, s24  }
0x4f: {  	[hbm:s20], [sflag:s10] =	dma.local [hbm:s21], $0x20  }
0x50: {  	s18 =	sadd.s32 $0x17E0, s0;
	s24 =	sadd.s32 $0xFFFFFF20, s22;
	s14 =	sadd.s32 s31, s14  }
0x51: {  	s20 =	sadd.s32 $0xFFFFEB00, s13;
	s21 =	sadd.s32 $0x1800, s0;
	s13 =	sadd.s32 $0x20E0, s0  }
0x52: {  	[hbm:s25], [sflag:s9] =	dma.local [hbm:s14], $0x2E0  }
0x53: {  	s14 =	sand.u32 $0x1FFFFFE0, s29;
	s25 =	sadd.s32 $0x1AE0, s0;
	s29 =	sadd.s32 $0x1DE0, s0  }
0x54: {  	[hbm:s26], [sflag:s10] =	dma.local [hbm:s28], $0x20  }
0x55: {  	s14 =	sadd.s32 s31, s14;
	s26 =	sadd.s32 $0x1B00, s0;
	s28 =	sadd.s32 $0xFFFFFF40, s22  }
0x56: {  	[hbm:s30], [sflag:s9] =	dma.local [hbm:s14], $0x2E0  }
0x57: {  	[hbm:s15], [sflag:s10] =	dma.local [hbm:s16], $0x20  }
0x58: {  	s30 =	sadd.s32 $0x1E00, s0;
	s14 =	sadd.s32 $0x2100, s0;
	s15 =	sadd.s32 $0xFFFFFF80, s22  }
0x59: {  	[hbm:s17], [sflag:s9] =	dma.local [hbm:s8], $0x2E0  }
0x5a: {  	s16 =	sadd.s32 $0x23E0, s0;
	s8 =	sand.u32 $0x1FFFFFE0, s20;
	s17 =	sadd.s32 $0x2400, s0  }
0x5b: {  	[hbm:s18], [sflag:s10] =	dma.local [hbm:s19], $0x20  }
0x5c: {  	s20 =	sadd.s32 $0xFFFFFA00, s4;
	s8 =	sadd.s32 s31, s8;
	s18 =	sadd.s32 $0xFFFFFFA0, s22  }
0x5d: {  	[hbm:s21], [sflag:s9] =	dma.local [hbm:s8], $0x2E0  }
0x5e: {  	s19 =	sadd.s32 $0x26E0, s0;
	s8 =	sadd.s32 $0xFFFFFF60, s22;
	s21 =	sadd.s32 $0x2700, s0  }
0x5f: {  	[hbm:s25], [sflag:s10] =	dma.local [hbm:s24], $0x20  }
0x60: {  	[hbm:s26], [sflag:s9] =	dma.local [hbm:s7], $0x2E0  }
0x61: {  	s24 =	sadd.s32 $0xFFFFFFC0, s22;
	s25 =	sadd.s32 $0x29E0, s0;
	s26 =	sadd.s32 $0x2A00, s0  }
0x62: {  	[hbm:s29], [sflag:s10] =	dma.local [hbm:s28], $0x20  }
0x63: {  	[hbm:s30], [sflag:s9] =	dma.local [hbm:s6], $0x2E0  }
0x64: {  	[hbm:s13], [sflag:s10] =	dma.local [hbm:s8], $0x20  }
0x65: {  	[hbm:s14], [sflag:s9] =	dma.local [hbm:s5], $0x2E0  }
0x66: {  	[hbm:s16], [sflag:s10] =	dma.local [hbm:s15], $0x20  }
0x67: {  	[hbm:s17], [sflag:s9] =	dma.local [hbm:s3], $0x2E0  }
0x68: {  	s28 =	sadd.s32 $0xFFFFFFE0, s22;
	s29 =	sadd.s32 $0x2CE0, s0;
	s3 =	sand.u32 $0x1FFFFFE0, s20  }
0x69: {  	[hbm:s19], [sflag:s10] =	dma.local [hbm:s18], $0x20  }
0x6a: {  	s30 =	sadd.s32 $0x2D00, s0;
	s0 =	sadd.s32 $0x2FE0, s0;
	s3 =	sadd.s32 s31, s3  }
0x6b: {  	[hbm:s21], [sflag:s9] =	dma.local [hbm:s3], $0x2E0  }
0x6c: {  	[hbm:s25], [sflag:s10] =	dma.local [hbm:s24], $0x20  }
0x6d: {  	[hbm:s26], [sflag:s9] =	dma.local [hbm:s1], $0x2E0  }
0x6e: {  	[hbm:s29], [sflag:s10] =	dma.local [hbm:s28], $0x20  }
0x6f: {  	[hbm:s30], [sflag:s9] =	dma.local [hbm:s2], $0x2E0  }
0x70: {  	[hbm:s0], [sflag:s10] =	dma.local [hbm:s22], $0x20  }
0x71: {  	_ =	swait.ge [sflag:s11], $0x2E0  }
0x72: {  	[sflag:s11] =	ssyncset.done $0x0  }
0x73: {  	[sflag:s11] =	ssyncadd.s32 $0xFFFFFD20  }
0x74: {  	_ =	swait.ge [sflag:s12], $0x20  }
0x75: {  	[sflag:s12] =	ssyncset.done $0x0  }
0x76: {  	[sflag:s12] =	ssyncadd.s32 $0xFFFFFFE0  }
0x77: {  	_ =	swait.ge [sflag:s11], $0x2E0  }
0x78: {  	[sflag:s11] =	ssyncset.done $0x0  }
0x79: {  	[sflag:s11] =	ssyncadd.s32 $0xFFFFFD20  }
0x7a: {  	_ =	swait.ge [sflag:s12], $0x20  }
0x7b: {  	[sflag:s12] =	ssyncset.done $0x0  }
0x7c: {  	[sflag:s12] =	ssyncadd.s32 $0xFFFFFFE0  }
0x7d: {  	_ =	swait.ge [sflag:s11], $0x2E0  }
0x7e: {  	[sflag:s11] =	ssyncset.done $0x0  }
0x7f: {  	[sflag:s11] =	ssyncadd.s32 $0xFFFFFD20  }
0x80: {  	_ =	swait.ge [sflag:s12], $0x20  }
0x81: {  	[sflag:s12] =	ssyncset.done $0x0  }
0x82: {  	[sflag:s12] =	ssyncadd.s32 $0xFFFFFFE0  }
0x83: {  	_ =	swait.ge [sflag:s11], $0x2E0  }
0x84: {  	[sflag:s11] =	ssyncset.done $0x0  }
0x85: {  	[sflag:s11] =	ssyncadd.s32 $0xFFFFFD20  }
0x86: {  	_ =	swait.ge [sflag:s12], $0x20  }
0x87: {  	[sflag:s12] =	ssyncset.done $0x0  }
0x88: {  	[sflag:s12] =	ssyncadd.s32 $0xFFFFFFE0  }
0x89: {  	_ =	swait.ge [sflag:s11], $0x2E0  }
0x8a: {  	[sflag:s11] =	ssyncset.done $0x0  }
0x8b: {  	[sflag:s11] =	ssyncadd.s32 $0xFFFFFD20  }
0x8c: {  	_ =	swait.ge [sflag:s12], $0x20  }
0x8d: {  	[sflag:s12] =	ssyncset.done $0x0  }
0x8e: {  	[sflag:s12] =	ssyncadd.s32 $0xFFFFFFE0  }
0x8f: {  	_ =	swait.ge [sflag:s11], $0x2E0  }
0x90: {  	[sflag:s11] =	ssyncset.done $0x0  }
0x91: {  	[sflag:s11] =	ssyncadd.s32 $0xFFFFFD20  }
0x92: {  	_ =	swait.ge [sflag:s12], $0x20  }
0x93: {  	[sflag:s12] =	ssyncset.done $0x0  }
0x94: {  	[sflag:s12] =	ssyncadd.s32 $0xFFFFFFE0  }
0x95: {  	_ =	swait.ge [sflag:s11], $0x2E0  }
0x96: {  	[sflag:s11] =	ssyncset.done $0x0  }
0x97: {  	[sflag:s11] =	ssyncadd.s32 $0xFFFFFD20  }
0x98: {  	_ =	swait.ge [sflag:s12], $0x20  }
0x99: {  	[sflag:s12] =	ssyncset.done $0x0  }
0x9a: {  	[sflag:s12] =	ssyncadd.s32 $0xFFFFFFE0  }
0x9b: {  	_ =	swait.ge [sflag:s11], $0x2E0  }
0x9c: {  	[sflag:s11] =	ssyncset.done $0x0  }
0x9d: {  	[sflag:s11] =	ssyncadd.s32 $0xFFFFFD20  }
0x9e: {  	_ =	swait.ge [sflag:s12], $0x20  }
0x9f: {  	[sflag:s12] =	ssyncset.done $0x0  }
0xa0: {  	[sflag:s12] =	ssyncadd.s32 $0xFFFFFFE0  }
0xa1: {  	_ =	swait.ge [sflag:s11], $0x2E0  }
0xa2: {  	[sflag:s11] =	ssyncset.done $0x0  }
0xa3: {  	[sflag:s11] =	ssyncadd.s32 $0xFFFFFD20  }
0xa4: {  	_ =	swait.ge [sflag:s12], $0x20  }
0xa5: {  	s7 =	simm.s32 $0x10;
	s14 =	simm.s32 $0x3000;
	[sflag:s12] =	ssyncset.done $0x0  }
0xa6: {  	s16 =	smov.u32 s22;
	s17 =	smov.u32 s23;
	[sflag:s12] =	ssyncadd.s32 $0xFFFFFFE0  }
.LBB2_2:
0xa7: {  	_ =	swait.ge [sflag:s11], $0x2E0  }
0xa8: {  	[sflag:s11] =	ssyncset.done $0x0  }
0xa9: {  	[sflag:s11] =	ssyncadd.s32 $0xFFFFFD20  }
0xaa: {  	_ =	swait.ge [sflag:s12], $0x20  }
0xab: {  	[sflag:s12] =	ssyncset.done $0x0  }
0xac: {  	[sflag:s12] =	ssyncadd.s32 $0xFFFFFFE0  }
0xad: {  	_ =	swait.ge [sflag:s11], $0x2E0  }
0xae: {  	[sflag:s11] =	ssyncset.done $0x0  }
0xaf: {  	[sflag:s11] =	ssyncadd.s32 $0xFFFFFD20  }
0xb0: {  	_ =	swait.ge [sflag:s12], $0x20  }
0xb1: {  	[sflag:s12] =	ssyncset.done $0x0  }
0xb2: {  	[sflag:s12] =	ssyncadd.s32 $0xFFFFFFE0  }
0xb3: {  	_ =	swait.ge [sflag:s11], $0x2E0  }
0xb4: {  	[sflag:s11] =	ssyncset.done $0x0  }
0xb5: {  	[sflag:s11] =	ssyncadd.s32 $0xFFFFFD20  }
0xb6: {  	_ =	swait.ge [sflag:s12], $0x20  }
0xb7: {  	[sflag:s12] =	ssyncset.done $0x0  }
0xb8: {  	[sflag:s12] =	ssyncadd.s32 $0xFFFFFFE0  }
0xb9: {  	_ =	swait.ge [sflag:s11], $0x2E0  }
0xba: {  	[sflag:s11] =	ssyncset.done $0x0  }
0xbb: {  	[sflag:s11] =	ssyncadd.s32 $0xFFFFFD20  }
0xbc: {  	_ =	swait.ge [sflag:s12], $0x20  }
0xbd: {  	[sflag:s12] =	ssyncset.done $0x0  }
0xbe: {  	[sflag:s12] =	ssyncadd.s32 $0xFFFFFFE0  }
0xbf: {  	_ =	swait.ge [sflag:s11], $0x2E0  }
0xc0: {  	[sflag:s11] =	ssyncset.done $0x0  }
0xc1: {  	[sflag:s11] =	ssyncadd.s32 $0xFFFFFD20  }
0xc2: {  	_ =	swait.ge [sflag:s12], $0x20  }
0xc3: {  	[sflag:s12] =	ssyncset.done $0x0  }
0xc4: {  	[sflag:s12] =	ssyncadd.s32 $0xFFFFFFE0  }
0xc5: {  	_ =	swait.ge [sflag:s11], $0x2E0  }
0xc6: {  	[sflag:s11] =	ssyncset.done $0x0  }
0xc7: {  	[sflag:s11] =	ssyncadd.s32 $0xFFFFFD20  }
0xc8: {  	_ =	swait.ge [sflag:s12], $0x20  }
0xc9: {  	[sflag:s12] =	ssyncset.done $0x0  }
0xca: {  	[sflag:s12] =	ssyncadd.s32 $0xFFFFFFE0  }
0xcb: {  	_ =	swait.ge [sflag:s11], $0x2E0  }
0xcc: {  	s16 =	sadd.s32 $0x200, s16;
	[sflag:s11] =	ssyncset.done $0x0  }
0xcd: {  	s4 =	sadd.s32 $0xFFFFFFE0, s16;
	[sflag:s11] =	ssyncadd.s32 $0xFFFFFD20  }
0xce: {  	s6 =	sadd.s32 $0xFFFFFFA0, s16;
	_ =	swait.ge [sflag:s12], $0x20;
	[dreg:$0x4] =	wrdreg s4  }
0xcf: {  	s8 =	sadd.s32 $0xFFFFFFC0, s16;
	[dreg:$0x6] =	wrdreg s6  }
0xd0: {  	s15 =	sadd.s32 $0xFFFFFF60, s16;
	[dreg:$0x5] =	wrdreg s8  }
0xd1: {  	s18 =	sadd.s32 $0xFFFFFF80, s16;
	[dreg:$0xa] =	wrdreg s15  }
0xd2: {  	s20 =	sadd.s32 $0xFFFFFF20, s16;
	[dreg:$0x9] =	wrdreg s18  }
0xd3: {  	s21 =	sadd.s32 $0xFFFFFF40, s16;
	[dreg:$0x11] =	wrdreg s20  }
0xd4: {  	s23 =	sadd.s32 $0xFFFFFEE0, s16;
	[dreg:$0xc] =	wrdreg s21  }
0xd5: {  	s24 =	sadd.s32 $0xFFFFFF00, s16;
	[dreg:$0x18] =	wrdreg s23  }
0xd6: {  	[dreg:$0x16] =	wrdreg s24  }
0xd7: {  	s0 =	smov.u32 s14;
	s26 =	sadd.s32 $0xFFFFFEA0, s16;
	s1 =	rddreg [dreg:$0x3]  }
0xd8: {  	[dreg:$0x1f] =	wrdreg s26;
	s4 =	sadd.s32 $0xFFFFFE40, s16;
	s0 =	sadd.s32 s0, s1  }
0xd9: {  	[smem:$0x7EC] =	sst s4;
	s1 =	sadd.s32 $0x600, s0  }
0xda: {  	[sflag:s12] =	ssyncset.done $0x0;
	s28 =	sadd.s32 $0x2E0, s0;
	[dreg:$0xf] =	wrdreg s1  }
0xdb: {  	[sflag:s12] =	ssyncadd.s32 $0xFFFFFFE0;
	s29 =	sadd.s32 $0x17E0, s0;
	[dreg:$0x14] =	wrdreg s28  }
0xdc: {  	v0 =	vld [tilespmem:s7+$0x0];
	s30 =	sadd.s32 $0xBE0, s0;
	[dreg:$0x7] =	wrdreg s29  }
0xdd: {  	s2 =	sadd.s32 $0x1800, s0;
	[dreg:$0x10] =	wrdreg s30  }
0xde: {  	s3 =	sadd.s32 $0x11E0, s0;
	[dreg:$0x8] =	wrdreg s2  }
0xdf: {  	s5 =	sadd.s32 $0x900, s0;
	[dreg:$0xb] =	wrdreg s3  }
0xe0: {  	s17 =	sadd.s32 $0x180, s17;
	s13 =	sadd.s32 $0x1200, s0;
	[dreg:$0x17] =	wrdreg s5  }
0xe1: {  	s19 =	sadd.s32 $0x14E0, s0;
	[dreg:$0x12] =	wrdreg s13;
	v0 =	vadd.s32 s17, v0  }
0xe2: {  	s22 =	sadd.s32 $0xEE0, s0;
	[dreg:$0x15] =	wrdreg s19;
	v0 =	vshll.u32 v0, $0x5  }
0xe3: {  	s25 =	sadd.s32 $0xC00, s0;
	[dreg:$0x1b] =	wrdreg s22;
	(v2sf) =	vpush v0, $0x1  }
0xe4: {  	s8 =	sadd.s32 $0x2FE0, s0;
	[smem:$0x7EF] =	sst s25;
	(v2sf) =	vpush v0, $0xA  }
0xe5: {  	s15 =	sadd.s32 $0x2CE0, s0;
	[dreg:$0xd] =	wrdreg s8;
	(v2sf) =	vpush v0, $0x0  }
0xe6: {  	s18 =	sadd.s32 $0x1AE0, s0;
	[dreg:$0x13] =	wrdreg s15;
	(v2sf) =	vpush v0, $0x2  }
0xe7: {  	s20 =	sadd.s32 $0x2A00, s0;
	[smem:$0x7F2] =	sst s18  }
0xe8: {  	s21 =	sadd.s32 $0x1E00, s0;
	[dreg:$0x19] =	wrdreg s20  }
0xe9: {  	s23 =	sadd.s32 $0x2700, s0;
	[smem:$0x7F4] =	sst s21  }
0xea: {  	s24 =	sadd.s32 $0x23E0, s0;
	[dreg:$0x1c] =	wrdreg s23;
	(v2sf) =	vpush v0, $0xB  }
0xeb: {  	s28 =	sadd.s32 $0xFFFFFEC0, s16;
	[smem:$0x7F7] =	sst s24;
	(v2sf) =	vpush v0, $0x3  }
0xec: {  	s29 =	sadd.s32 $0xFFFFFE60, s16;
	[dreg:$0x1d] =	wrdreg s28;
	(v2sf) =	vpush v0, $0x5  }
0xed: {  	s30 =	sadd.s32 $0xFFFFFE80, s16;
	[smem:$0x7ED] =	sst s29;
	(v2sf) =	vpush v0, $0x7  }
0xee: {  	s2 =	sadd.s32 $0xF00, s0;
	[smem:$0x7EE] =	sst s30;
	(v2sf) =	vpush v0, $0x4  }
0xef: {  	s3 =	sadd.s32 $0x5E0, s0;
	[smem:$0x7F0] =	sst s2;
	(v2sf) =	vpush v0, $0xC  }
0xf0: {  	s5 =	sadd.s32 $0x2D00, s0;
	[smem:$0x7EB] =	sst s3;
	(v2sf) =	vpush v0, $0x6  }
0xf1: {  	s13 =	sadd.s32 $0x1500, s0;
	[dreg:$0xe] =	wrdreg s5;
	(v2sf) =	vpush v0, $0xE  }
0xf2: {  	s19 =	sadd.s32 $0x29E0, s0;
	[smem:$0x7F1] =	sst s13;
	(v2sf) =	vpush v0, $0x9;
	s26 =	spop (v2sf)  }
0xf3: {  	s22 =	sadd.s32 $0x26E0, s0;
	[dreg:$0x1a] =	wrdreg s19;
	(v2sf) =	vpush v0, $0x8;
	s15 =	spop (v2sf)  }
0xf4: {  	[dreg:$0x1e] =	wrdreg s22;
	s2 =	sadd.s32 $0x20E0, s0;
	s30 =	spop (v2sf);
	(v2sf) =	vpush v0, $0xD  }
0xf5: {  	s25 =	sadd.s32 $0x2400, s0;
	[smem:$0x7F5] =	sst s2;
	s2 =	spop (v2sf);
	(v2sf) =	vpush v0, $0xF  }
0xf6: {  	[smem:$0x7F8] =	sst s25;
	s28 =	sadd.s32 $0x2100, s0  }
0xf7: {  	s6 =	sadd.s32 $0xFFFFFE20, s16;
	s29 =	sadd.s32 $0x1DE0, s0;
	[smem:$0x7F6] =	sst s28  }
0xf8: {  	s4 =	sadd.s32 $0x300, s0;
	s5 =	sadd.s32 $0x8E0, s0;
	[smem:$0x7F3] =	sst s29  }
0xf9: {  	s1 =	sadd.s32 $0xFFFFD600, s26;
	s20 =	sadd.s32 $0xFFFFF100, s15;
	s3 =	spop (v2sf)  }
0xfa: {  	s1 =	sand.u32 $0x1FFFFFE0, s1;
	s21 =	sadd.s32 $0xFFFFD300, s30;
	s13 =	spop (v2sf)  }
0xfb: {  	s15 =	sadd.s32 s31, s1;
	s22 =	sadd.s32 $0xFFFFD900, s2;
	s23 =	spop (v2sf)  }
0xfc: {  	s21 =	sand.u32 $0x1FFFFFE0, s21;
	s8 =	sand.u32 $0x1FFFFFE0, s22;
	s25 =	spop (v2sf)  }
0xfd: {  	s2 =	sadd.s32 $0xFFFFF400, s3;
	s21 =	sadd.s32 s31, s21;
	s26 =	spop (v2sf)  }
0xfe: {  	s22 =	sadd.s32 $0xFFFFDC00, s13;
	s28 =	sadd.s32 s31, s8;
	s19 =	spop (v2sf)  }
0xff: {  	s3 =	sand.u32 $0x1FFFFFE0, s22;
	s24 =	sadd.s32 $0xFFFFE800, s25;
	s8 =	spop (v2sf)  }
0x100: {  	s18 =	sadd.s32 $0xFFFFDF00, s26;
	s22 =	sadd.s32 $0xFFFFF700, s19;
	s13 =	spop (v2sf)  }
0x101: {  	s30 =	sand.u32 $0x1FFFFFE0, s18;
	s25 =	sand.u32 $0x1FFFFFE0, s22;
	s19 =	spop (v2sf)  }
0x102: {  	s1 =	sadd.s32 $0xFFFFE500, s8;
	s18 =	sadd.s32 $0xFFFFFD00, s13;
	s13 =	spop (v2sf)  }
0x103: {  	s22 =	sand.u32 $0x1FFFFFE0, s24;
	s29 =	sand.u32 $0x1FFFFFE0, s1;
	s8 =	spop (v2sf)  }
0x104: {  	s24 =	sadd.s32 $0xFFFFEB00, s13;
	s13 =	sadd.s32 $0xFFFFFA00, s8;
	s8 =	spop (v2sf)  }
0x105: {  	[hbm:s0], [sflag:s9] =	dma.local [hbm:s21], $0x2E0  }
0x106: {  	s1 =	sand.u32 $0x1FFFFFE0, s18;
	s18 =	sadd.s32 $0x1B00, s0;
	s0 =	rddreg [dreg:$0x14]  }
0x107: {  	[hbm:s0], [sflag:s10] =	dma.local [hbm:s6], $0x20  }
0x108: {  	[hbm:s4], [sflag:s9] =	dma.local [hbm:s15], $0x2E0  }
0x109: {  	s21 =	sld [smem:$0x7EB]  }
0x10a: {  	s4 =	sld [smem:$0x7EC];
	_ =	sdelay $0x2  }
0x10b: {  	[hbm:s21], [sflag:s10] =	dma.local [hbm:s4], $0x20  }
0x10c: {  	s0 =	rddreg [dreg:$0xf]  }
0x10d: {  	[hbm:s0], [sflag:s9] =	dma.local [hbm:s28], $0x2E0  }
0x10e: {  	s0 =	sld [smem:$0x7ED];
	_ =	sdelay $0x2  }
0x10f: {  	[hbm:s5], [sflag:s10] =	dma.local [hbm:s0], $0x20  }
0x110: {  	s3 =	sadd.s32 s31, s3;
	s0 =	rddreg [dreg:$0x17]  }
0x111: {  	[hbm:s0], [sflag:s9] =	dma.local [hbm:s3], $0x2E0  }
0x112: {  	s3 =	sld [smem:$0x7EE];
	_ =	sdelay $0x1  }
0x113: {  	s0 =	rddreg [dreg:$0x10]  }
0x114: {  	[hbm:s0], [sflag:s10] =	dma.local [hbm:s3], $0x20  }
0x115: {  	s0 =	sld [smem:$0x7EF];
	_ =	sdelay $0x1  }
0x116: {  	s30 =	sadd.s32 s31, s30  }
0x117: {  	[hbm:s0], [sflag:s9] =	dma.local [hbm:s30], $0x2E0  }
0x118: {  	s0 =	rddreg [dreg:$0x1b]  }
0x119: {  	s23 =	sadd.s32 $0xFFFFE200, s23;
	s6 =	rddreg [dreg:$0x1f]  }
0x11a: {  	[hbm:s0], [sflag:s10] =	dma.local [hbm:s6], $0x20  }
0x11b: {  	s23 =	sand.u32 $0x1FFFFFE0, s23;
	s0 =	sld [smem:$0x7F0]  }
0x11c: {  	s26 =	sadd.s32 $0xFFFFEE00, s19;
	s19 =	sadd.s32 s31, s22;
	s22 =	sand.u32 $0x1FFFFFE0, s24  }
0x11d: {  	s20 =	sand.u32 $0x1FFFFFE0, s20;
	s23 =	sadd.s32 s31, s23;
	s24 =	sadd.s32 s31, s22  }
0x11e: {  	[hbm:s0], [sflag:s9] =	dma.local [hbm:s23], $0x2E0  }
0x11f: {  	s22 =	sand.u32 $0x1FFFFFE0, s13;
	s8 =	sand.u32 $0x1FFFFFE0, s8;
	s0 =	rddreg [dreg:$0xb]  }
0x120: {  	s13 =	sadd.s32 s31, s20;
	s20 =	sadd.s32 s31, s8;
	s8 =	rddreg [dreg:$0x1d]  }
0x121: {  	[hbm:s0], [sflag:s10] =	dma.local [hbm:s8], $0x20  }
0x122: {  	s29 =	sadd.s32 s31, s29;
	s0 =	rddreg [dreg:$0x12]  }
0x123: {  	[hbm:s0], [sflag:s9] =	dma.local [hbm:s29], $0x2E0  }
0x124: {  	s0 =	rddreg [dreg:$0x15]  }
0x125: {  	s15 =	rddreg [dreg:$0x18]  }
0x126: {  	[hbm:s0], [sflag:s10] =	dma.local [hbm:s15], $0x20  }
0x127: {  	s0 =	sld [smem:$0x7F1];
	_ =	sdelay $0x2  }
0x128: {  	[hbm:s0], [sflag:s9] =	dma.local [hbm:s19], $0x2E0  }
0x129: {  	s0 =	rddreg [dreg:$0x7]  }
0x12a: {  	s21 =	rddreg [dreg:$0x16]  }
0x12b: {  	[hbm:s0], [sflag:s10] =	dma.local [hbm:s21], $0x20  }
0x12c: {  	s0 =	rddreg [dreg:$0x8]  }
0x12d: {  	[hbm:s0], [sflag:s9] =	dma.local [hbm:s24], $0x2E0  }
0x12e: {  	s23 =	sld [smem:$0x7F2]  }
0x12f: {  	s26 =	sand.u32 $0x1FFFFFE0, s26  }
0x130: {  	s26 =	sadd.s32 s31, s26;
	s0 =	rddreg [dreg:$0x11]  }
0x131: {  	[hbm:s23], [sflag:s10] =	dma.local [hbm:s0], $0x20  }
0x132: {  	[hbm:s18], [sflag:s9] =	dma.local [hbm:s26], $0x2E0  }
0x133: {  	s26 =	sld [smem:$0x7F3];
	_ =	sdelay $0x1  }
0x134: {  	s24 =	rddreg [dreg:$0xc]  }
0x135: {  	[hbm:s26], [sflag:s10] =	dma.local [hbm:s24], $0x20  }
0x136: {  	s0 =	sld [smem:$0x7F4];
	_ =	sdelay $0x2  }
0x137: {  	[hbm:s0], [sflag:s9] =	dma.local [hbm:s13], $0x2E0  }
0x138: {  	s28 =	sld [smem:$0x7F5];
	_ =	sdelay $0x1  }
0x139: {  	s0 =	rddreg [dreg:$0xa]  }
0x13a: {  	[hbm:s28], [sflag:s10] =	dma.local [hbm:s0], $0x20  }
0x13b: {  	s0 =	sld [smem:$0x7F6]  }
0x13c: {  	s2 =	sand.u32 $0x1FFFFFE0, s2  }
0x13d: {  	s2 =	sadd.s32 s31, s2  }
0x13e: {  	[hbm:s0], [sflag:s9] =	dma.local [hbm:s2], $0x2E0  }
0x13f: {  	s2 =	sld [smem:$0x7F7];
	_ =	sdelay $0x1  }
0x140: {  	s0 =	rddreg [dreg:$0x9]  }
0x141: {  	[hbm:s2], [sflag:s10] =	dma.local [hbm:s0], $0x20  }
0x142: {  	s0 =	sld [smem:$0x7F8];
	_ =	sdelay $0x1  }
0x143: {  	s25 =	sadd.s32 s31, s25  }
0x144: {  	[hbm:s0], [sflag:s9] =	dma.local [hbm:s25], $0x2E0  }
0x145: {  	s0 =	rddreg [dreg:$0x6]  }
0x146: {  	s29 =	rddreg [dreg:$0x1e]  }
0x147: {  	[hbm:s29], [sflag:s10] =	dma.local [hbm:s0], $0x20  }
0x148: {  	s22 =	sadd.s32 s31, s22;
	s0 =	rddreg [dreg:$0x1c]  }
0x149: {  	[hbm:s0], [sflag:s9] =	dma.local [hbm:s22], $0x2E0  }
0x14a: {  	s0 =	rddreg [dreg:$0x5]  }
0x14b: {  	s30 =	rddreg [dreg:$0x1a]  }
0x14c: {  	[hbm:s30], [sflag:s10] =	dma.local [hbm:s0], $0x20  }
0x14d: {  	s1 =	sadd.s32 s31, s1;
	s0 =	rddreg [dreg:$0x19]  }
0x14e: {  	[hbm:s0], [sflag:s9] =	dma.local [hbm:s1], $0x2E0  }
0x14f: {  	s0 =	rddreg [dreg:$0x4]  }
0x150: {  	s1 =	rddreg [dreg:$0x13]  }
0x151: {  	[hbm:s1], [sflag:s10] =	dma.local [hbm:s0], $0x20  }
0x152: {  	s0 =	rddreg [dreg:$0xe]  }
0x153: {  	[hbm:s0], [sflag:s9] =	dma.local [hbm:s20], $0x2E0  }
0x154: {  	s0 =	rddreg [dreg:$0xd]  }
0x155: {  	[hbm:s0], [sflag:s10] =	dma.local [hbm:s16], $0x20  }
0x156: {  	_ =	swait.ge [sflag:s11], $0x2E0  }
0x157: {  	[sflag:s11] =	ssyncset.done $0x0  }
0x158: {  	[sflag:s11] =	ssyncadd.s32 $0xFFFFFD20  }
0x159: {  	_ =	swait.ge [sflag:s12], $0x20  }
0x15a: {  	[sflag:s12] =	ssyncset.done $0x0  }
0x15b: {  	[sflag:s12] =	ssyncadd.s32 $0xFFFFFFE0  }
0x15c: {  	_ =	swait.ge [sflag:s11], $0x2E0  }
0x15d: {  	[sflag:s11] =	ssyncset.done $0x0  }
0x15e: {  	[sflag:s11] =	ssyncadd.s32 $0xFFFFFD20  }
0x15f: {  	_ =	swait.ge [sflag:s12], $0x20  }
0x160: {  	[sflag:s12] =	ssyncset.done $0x0  }
0x161: {  	[sflag:s12] =	ssyncadd.s32 $0xFFFFFFE0  }
0x162: {  	_ =	swait.ge [sflag:s11], $0x2E0  }
0x163: {  	[sflag:s11] =	ssyncset.done $0x0  }
0x164: {  	[sflag:s11] =	ssyncadd.s32 $0xFFFFFD20  }
0x165: {  	_ =	swait.ge [sflag:s12], $0x20  }
0x166: {  	[sflag:s12] =	ssyncset.done $0x0  }
0x167: {  	[sflag:s12] =	ssyncadd.s32 $0xFFFFFFE0  }
0x168: {  	_ =	swait.ge [sflag:s11], $0x2E0  }
0x169: {  	[sflag:s11] =	ssyncset.done $0x0  }
0x16a: {  	[sflag:s11] =	ssyncadd.s32 $0xFFFFFD20  }
0x16b: {  	_ =	swait.ge [sflag:s12], $0x20  }
0x16c: {  	[sflag:s12] =	ssyncset.done $0x0  }
0x16d: {  	[sflag:s12] =	ssyncadd.s32 $0xFFFFFFE0  }
0x16e: {  	_ =	swait.ge [sflag:s11], $0x2E0  }
0x16f: {  	[sflag:s11] =	ssyncset.done $0x0  }
0x170: {  	[sflag:s11] =	ssyncadd.s32 $0xFFFFFD20  }
0x171: {  	_ =	swait.ge [sflag:s12], $0x20  }
0x172: {  	[sflag:s12] =	ssyncset.done $0x0  }
0x173: {  	[sflag:s12] =	ssyncadd.s32 $0xFFFFFFE0  }
0x174: {  	_ =	swait.ge [sflag:s11], $0x2E0  }
0x175: {  	[sflag:s11] =	ssyncset.done $0x0  }
0x176: {  	[sflag:s11] =	ssyncadd.s32 $0xFFFFFD20  }
0x177: {  	_ =	swait.ge [sflag:s12], $0x20  }
0x178: {  	[sflag:s12] =	ssyncset.done $0x0  }
0x179: {  	[sflag:s12] =	ssyncadd.s32 $0xFFFFFFE0  }
0x17a: {  	_ =	swait.ge [sflag:s11], $0x2E0  }
0x17b: {  	[sflag:s11] =	ssyncset.done $0x0  }
0x17c: {  	[sflag:s11] =	ssyncadd.s32 $0xFFFFFD20  }
0x17d: {  	_ =	swait.ge [sflag:s12], $0x20  }
0x17e: {  	[sflag:s12] =	ssyncset.done $0x0  }
0x17f: {  	[sflag:s12] =	ssyncadd.s32 $0xFFFFFFE0  }
0x180: {  	_ =	swait.ge [sflag:s11], $0x2E0  }
0x181: {  	[sflag:s11] =	ssyncset.done $0x0  }
0x182: {  	[sflag:s11] =	ssyncadd.s32 $0xFFFFFD20  }
0x183: {  	_ =	swait.ge [sflag:s12], $0x20  }
0x184: {  	[sflag:s12] =	ssyncset.done $0x0  }
0x185: {  	[sflag:s12] =	ssyncadd.s32 $0xFFFFFFE0  }
0x186: {  	p0 =	sne.s32 s14, $0x1B000;
	_ =	swait.ge [sflag:s11], $0x2E0  }
.Ltmp0:
0x187: {  	[sflag:s11] =	ssyncset.done $0x0;
	(pc) =	sbr.rel @p0 .LBB2_2-.Ltmp0, $4  }
0x188: {  	[sflag:s11] =	ssyncadd.s32 $0xFFFFFD20  }
0x189: {  	_ =	swait.ge [sflag:s12], $0x20  }
0x18a: {  	[sflag:s12] =	ssyncset.done $0x0  }
0x18b: {  	s14 =	sadd.s32 $0x3000, s14;
	s7 =	sadd.s32 $0x10, s7;
	[sflag:s12] =	ssyncadd.s32 $0xFFFFFFE0  }
0x18c: {  	_ =	swait.ge [sflag:s11], $0x2E0  }
0x18d: {  	[sflag:s11] =	ssyncset.done $0x0  }
0x18e: {  	[sflag:s11] =	ssyncadd.s32 $0xFFFFFD20  }
0x18f: {  	_ =	swait.ge [sflag:s12], $0x20  }
0x190: {  	[sflag:s12] =	ssyncset.done $0x0  }
0x191: {  	[sflag:s12] =	ssyncadd.s32 $0xFFFFFFE0  }
0x192: {  	_ =	swait.ge [sflag:s11], $0x2E0  }
0x193: {  	[sflag:s11] =	ssyncset.done $0x0  }
0x194: {  	[sflag:s11] =	ssyncadd.s32 $0xFFFFFD20  }
0x195: {  	_ =	swait.ge [sflag:s12], $0x20  }
0x196: {  	[sflag:s12] =	ssyncset.done $0x0  }
0x197: {  	[sflag:s12] =	ssyncadd.s32 $0xFFFFFFE0  }
0x198: {  	_ =	swait.ge [sflag:s11], $0x2E0  }
0x199: {  	[sflag:s11] =	ssyncset.done $0x0  }
0x19a: {  	[sflag:s11] =	ssyncadd.s32 $0xFFFFFD20  }
0x19b: {  	_ =	swait.ge [sflag:s12], $0x20  }
0x19c: {  	[sflag:s12] =	ssyncset.done $0x0  }
0x19d: {  	[sflag:s12] =	ssyncadd.s32 $0xFFFFFFE0  }
0x19e: {  	_ =	swait.ge [sflag:s11], $0x2E0  }
0x19f: {  	[sflag:s11] =	ssyncset.done $0x0  }
0x1a0: {  	[sflag:s11] =	ssyncadd.s32 $0xFFFFFD20  }
0x1a1: {  	_ =	swait.ge [sflag:s12], $0x20  }
0x1a2: {  	[sflag:s12] =	ssyncset.done $0x0  }
0x1a3: {  	[sflag:s12] =	ssyncadd.s32 $0xFFFFFFE0  }
0x1a4: {  	_ =	swait.ge [sflag:s11], $0x2E0  }
0x1a5: {  	[sflag:s11] =	ssyncset.done $0x0  }
0x1a6: {  	[sflag:s11] =	ssyncadd.s32 $0xFFFFFD20  }
0x1a7: {  	_ =	swait.ge [sflag:s12], $0x20  }
0x1a8: {  	[sflag:s12] =	ssyncset.done $0x0  }
0x1a9: {  	[sflag:s12] =	ssyncadd.s32 $0xFFFFFFE0  }
0x1aa: {  	_ =	swait.ge [sflag:s11], $0x2E0  }
0x1ab: {  	[sflag:s11] =	ssyncset.done $0x0  }
0x1ac: {  	[sflag:s11] =	ssyncadd.s32 $0xFFFFFD20  }
0x1ad: {  	_ =	swait.ge [sflag:s12], $0x20  }
0x1ae: {  	[sflag:s12] =	ssyncset.done $0x0  }
0x1af: {  	[sflag:s12] =	ssyncadd.s32 $0xFFFFFFE0  }
0x1b0: {  	_ =	swait.ge [sflag:s11], $0x2E0  }
0x1b1: {  	[sflag:s11] =	ssyncset.done $0x0  }
0x1b2: {  	[sflag:s11] =	ssyncadd.s32 $0xFFFFFD20  }
0x1b3: {  	_ =	swait.ge [sflag:s12], $0x20  }
0x1b4: {  	s1 =	sld [smem:$0x7F9]  }
0x1b5: {  	s0 =	sld [smem:$0x7FB];
	_ =	sdelay $0x1  }
0x1b6: {  	s1 =	sadd.s32 $0x1, s1  }
0x1b7: {  	p0 =	sne.s32 s1, s0  }
.Ltmp1:
0x1b8: {  	_ = 	snop;
	(pc) =	sbr.rel @p0 .LBB2_1-.Ltmp1, $3  }
0x1b9: {  	_ =	sdelay $0x1  }
0x1ba: {  	[sflag:s12] =	ssyncset.done $0x0  }
0x1bb: {  	[sflag:s12] =	ssyncadd.s32 $0xFFFFFFE0  }
0x1bc: {  	_ =	sfence.sel $0x180000  }
0x1bd: {  	[bflag:$0x0] =	sbarrier.arrive $0xFFFF  }
0x1be: {  	_ =	strace $0x9000004A  }
0x1bf: {  	s0 =	stileid.u32;
	[bflag:$0x2] =	sbarrier.arrive $0xFFFF  }
0x1c0: {  	p0 =	sne.s32 s0, $0x0;
	s0 =	rddreg [dreg:$0x2]  }
0x1c1: {  	s0 =	sadd.s32 @!p0 $0x100000, s0  }
0x1c2: {  	[sflag:s0] =	ssyncadd.tile.s32 @!p0 $0x1;
	_ =	shalt  }
.Lfunc_end2:
_tile_overlayer_lowered:
.L_overlay_start_2:
0x1c3: {  	(tag) =	ssettag $0x2  }
0x1c4: {  	s0 =	rddreg [dreg:$0x0];
	s2 =	stileid.u32  }
0x1c5: {  	s1 =	rddreg [dreg:$0x1];
	p0 =	sne.s32 s2, $0x0  }
0x1c6: {  	s3 =	rddreg [dreg:$0x2];
	[bflag:$0x3] =	sbarrier.arrive $0xFFFF;
	s2 =	simm.s32 @!p0 $0x1C03  }
0x1c7: {  	[timem:s3], [sflag:s2] =	dma.local @!p0 [hbm:s0], s1  }
0x1c8: {  	s0 =	simm.s32 @!p0 $0x3  }
0x1c9: {  	_ =	swait.ge @!p0 [sflag:s0], s1  }
0x1ca: {  	s1 =	ssub.s32 @!p0 $0x0, s1;
	[sflag:s0] =	ssyncset.done @!p0 $0x0  }
0x1cb: {  	[sflag:s0] =	ssyncadd.s32 @!p0 s1  }
0x1cc: {  	[bflag:$0x3] =	sbarrier.arrive $0xFFFF  }
0x1cd: {  	_ =	shalt  }

// kernel: sparse-core-data-format-call.cloned.1.call-start
scs
called_computation_lowered:
.L_overlay_start_0:
0x0: {  	s2 =	sld [smem:$0x3FD9]  }
0x1: {  	s3 =	sld [smem:$0x3FFE];
	_ =	sdelay $0x1  }
0x2: {  	s1 =	srdreg.scid  }
0x3: {  	s0 =	sand.u32 $0x1, s1  }
0x4: {  	s16 =	sshll.u32 s0, $0xA;
	s2 =	sadd.s32 s3, s2  }
0x5: {  	s2 =	sadd.s32 s2, s16  }
0x6: {  	[smem:$0x3FC0] =	sst s2  }
0x7: {  	_ = 	snop  }
0x8: {  	s2 =	sld [smem:$0x3FD0];
	_ =	sdelay $0x2  }
0x9: {  	s4 =	simm.s32 $0xA;
	s5 =	simm.s32 $0x10;
	s17 =	sld [smem:$0x3FC4]  }
0xa: {  	[smem:s5], [sflag:s4] =	dma.local [hbm:s2], $0x1  }
0xb: {  	_ =	swait.eq [sflag:s4], $0x1  }
0xc: {  	[sflag:s4] =	ssyncset.done $0x0  }
0xd: {  	[sflag:s4] =	ssyncadd.s32 $0xFFFFFFFF  }
0xe: {  	s18 =	sld [smem:$0x10];
	(tm) =	ssettm $0x1  }
0xf: {  	s19 =	sld [smem:$0x3FFB];
	_ =	sdelay $0x3  }
0x10: {  	_ =	strace s19  }
0x11: {  	s4 =	sld [smem:$0x3FFC];
	_ =	sdelay $0x3  }
0x12: {  	_ =	strace s4  }
0x13: {  	s4 =	sld [smem:$0x3FFD];
	_ =	sdelay $0x3  }
0x14: {  	_ =	strace s4  }
0x15: {  	_ =	strace $0x8FFFFFFF  }
0x16: {  	s20 =	sld [smem:$0x3FDB];
	_ =	sdelay $0x1  }
0x17: {  	s21 =	simm.s32 $_scs_section_size  }
0x18: {  	s6 =	simm.s32 $_size__tile_overlayer_lowered;
	s7 =	simm.s32 $_tile_overlayer_lowered  }
0x19: {  	s24 =	simm.s32 $0x1BFF;
	s23 =	sshll.u32 s7, $0x1;
	s4 =	sadd.s32 s21, s20  }
0x1a: {  	s8 =	simm.s32 $0x0;
	s22 =	sshll.u32 s6, $0x1;
	s6 =	sadd.s32 s23, s4  }
0x1b: {  	[timem:s8], [sflag:s24] =	dma.local [hbm:s6], s22  }
0x1c: {  	_ =	swait.ge [sflag:s24], s22  }
0x1d: {  	s5 =	ssub.s32 $0x0, s22;
	[sflag:s24] =	ssyncset.done $0x0  }
0x1e: {  	[sflag:s24] =	ssyncadd.s32 s5;
	_ =	sdelay $0x1  }
0x1f: {  	s25 =	simm.s32 $0x1B8B  }
0x20: {  	_ =	swait.ge [sflag:s25], $0x1  }
0x21: {  	[sflag:s25] =	ssyncset.done $0x0  }
0x22: {  	s26 =	simm.s32 $0x1B8E;
	[sflag:s25] =	ssyncadd.s32 $0xFFFFFFFF  }
0x23: {  	s27 =	simm.s32 $execute0_lowered;
	[smem:$0x3FD2] =	sst s26  }
0x24: {  	s5 =	sshll.u32 s27, $0x1;
	_ =	strace $0x80000046;
	[dreg:$0x1] =	wrdreg $0xFFFFFFFF  }
0x25: {  	s28 =	simm.s32 $_size_execute0_lowered;
	s4 =	sadd.s32 s4, s5;
	[dreg:$0x0] =	wrdreg $0x0  }
0x26: {  	s5 =	sshll.u32 s28, $0x1;
	[dreg:$0x2] =	wrdreg s4  }
0x27: {  	[dreg:$0x3] =	wrdreg s5  }
0x28: {  	[dreg:$0x4] =	wrdreg $0xC0  }
0x29: {  	_ =	task [dreg:s8], $0x5FFFF  }
0x2a: {  	[dreg:$0x1] =	wrdreg $0xFFFFFFFF  }
0x2b: {  	[dreg:$0x0] =	wrdreg $0x60  }
0x2c: {  	[dreg:$0x2] =	wrdreg s17  }
0x2d: {  	[dreg:$0x3] =	wrdreg s18  }
0x2e: {  	[dreg:$0x4] =	wrdreg $0x9  }
0x2f: {  	_ =	task.clear_ibuf [dreg:s8], $0x5FFFF;
	_ =	strace $0x90000046  }
0x30: {  	s29 =	simm.s32 $0x9;
	_ =	strace $0x80000048  }
0x31: {  	_ =	swait.ge [sflag:s29], $0x1  }
0x32: {  	[sflag:s29] =	ssyncadd.s32 $0xFFFFFFFF  }
0x33: {  	_ =	strace $0x90000048  }
0x34: {  	_ =	sfence  }
0x35: {  	s30 =	sld [smem:$0x0];
	_ =	sdelay $0x2  }
0x36: {  	s31 =	sshll.u32 s1, $0xD;
	s1 =	sshrl.u32 s1, $0x2  }
0x37: {  	s3 =	sand.u32 $0x4000, s31;
	s1 =	sadd.s32 s1, s30  }
0x38: {  	s0 =	sor.u32 s3, s0;
	s1 =	sshll.u32 s1, $0x11  }
0x39: {  	s0 =	sor.u32 s1, s0  }
0x3a: {  	s0 =	sadd.s32 $0x8F2B, s0  }
0x3b: {  	[sflag:s0] =	ssyncadd.remote.s32 $0x1  }
0x3c: {  	_ =	sfence.sel $0xFFFF  }
0x3d: {  	[dreg:$0x0] =	wrdreg $0xFFFFFFFF;
	(pc) =	sbr.abs _section_cstart, $3  }
0x3e: {  	[dreg:$0x1] =	wrdreg $0xFFFFFFFF  }
0x3f: {  	_ =	task.clear_ibuf [dreg:s8], $0x2FFFF;
	_ =	strace $0x9FFFFFFF  }
0x40: {  	(tm) =	ssettm $0x7FFFFFFF  }
0x41: {  	_ =	shalt  }
tec
execute0_lowered:
.L_overlay_start_1:
0x0: {  	(tag) =	ssettag $0x1  }
0x1: {  	s0 =	srdreg.scid  }
0x2: {  	s1 =	sshll.u32 s0, $0x4  }
0x3: {  	s2 =	rddreg [dreg:$0x0];
	s0 =	stileid.u32;
	s1 =	sand.u32 $0x10, s1  }
0x4: {  	s4 =	rddreg [dreg:$0x1];
	s1 =	sor.u32 s0, s1  }
0x5: {  	s7 =	simm.s32 $0x1;
	s8 =	simm.s32 $0x2;
	s3 =	sshll.u32 s1, $0x3  }
0x6: {  	s9 =	simm.s32 $0x0;
	s12 =	simm.s32 $0x0;
	s6 =	ssub.s32 $0x3A98, s3  }
.Ltmp0:
0x7: {  	s11 =	simm.s32 $0x0;
	s5 =	sand.u32 $0xF8, s6;
	(pc) =	sbr.rel .LBB1_1-.Ltmp0, $4  }
0x8: {  	s1 =	rddreg [dreg:$0x2];
	_ =	strace $0x80000047;
	p0 =	sne.s32 s5, $0x0  }
0x9: {  	s6 =	sshrl.u32 s6, $0x8;
	s5 =	simm.s32 $0x1;
	s7 =	simm.s32 @!p0 $0x0  }
0xa: {  	s10 =	smov.u32 s3;
	[sflag:s5] =	ssyncpa.u1 $0x0;
	s6 =	sadd.s32 s7, s6  }
0xb: {  	[sflag:s8] =	ssyncpa.u1 $0x0;
	s8 =	simm.s32 $0x0;
	s7 =	sadd.s32 $0x1, s6  }
.LBB1_9:
0xc: {  	s14 =	sadd.s32 $0x100, s10  }
0xd: {  	p1 =	sgt.s32 s14, $0x3A97  }
0xe: {  	s14 =	smov.u32 @p1 s3;
	p1 =	sne.s32 s11, s7  }
.Ltmp1:
0xf: {  	p0 =	slt.u32 s11, $0x2;
	(pc) =	sbr.rel @!p1 .LBB1_10-.Ltmp1, $4  }
0x10: {  	s13 =	simm.s32 @!p0 $0x2  }
0x11: {  	s15 =	sadd.s32 $0x1, s11;
	_ =	swait.ge @!p0 [sflag:s13], $0x4000  }
0x12: {  	s12 =	smov.u32 s10;
	s9 =	sadd.s32 $0x4000, s9;
	[sflag:s13] =	ssyncset.done @!p0 $0x0  }
0x13: {  	s11 =	smov.u32 s15;
	s10 =	smov.u32 s14;
	[sflag:s13] =	ssyncadd.s32 @!p0 $0xFFFFC000  }
.LBB1_1:
0x14: {  	p0 =	sge.u32 s11, s6  }
0x15: {  	s13 =	sxor.u32 @!p0 $0xFFFFFFFF, s11  }
0x16: {  	s31 =	sadd.s32 $0xFFFFFFFF, s11;
	s14 =	sshll.u32 @!p0 s10, $0x8;
	s13 =	sshll.u32 @!p0 s13, $0xE  }
0x17: {  	s15 =	simm.s32 @!p0 $0x0;
	s14 =	sadd.s32 @!p0 s2, s14;
	s13 =	sand.u32 @!p0 $0x4000, s13  }
0x18: {  	[tilespmem:s13], [sflag:$0x1] =	stream.linear.gather @!p0 [hbm4b:s14+s15], $0x4000, $0x38;
	[tilespmem:$0x10000] =	vst v63  }
0x19: {  	p0 =	sge.u32 s31, s6  }
.Ltmp2:
0x1a: {  	_ = 	snop;
	(pc) =	sbr.rel @p0 .LBB1_9-.Ltmp2, $1  }
0x1b: {  	_ =	sdelay $0x3  }
0x1c: {  	s13 =	sshll.u32 s9, $0x2;
	_ =	swait.ge [sflag:s5], $0x4000;
	s14 =	sshll.u32 s11, $0xE  }
0x1d: {  	s16 =	simm.s32 $0x0;
	s17 =	simm.s32 $0x0;
	s15 =	sand.u32 $0x10000, s13  }
0x1e: {  	[sflag:s5] =	ssyncset.done $0x0;
	s31 =	sand.u32 $0x4000, s14;
	s14 =	sshrl.u32 s15, $0x2  }
0x1f: {  	[sflag:s5] =	ssyncadd.s32 $0xFFFFC000;
	s13 =	sor.u32 $0x8000, s31;
	s15 =	sor.u32 $0x8000, s14  }
.LBB1_3:
0x20: {  	s18 =	sshra.s32 s16, $0x2  }
0x21: {  	v0 =	vmov s18;
	_ =	sdelay $0x3  }
0x22: {  	p1 =	por $0x1, $0x1;
	s18 =	simm.s32 $0x0  }
.LBB1_4:
0x23: {  	_ = 	snop  }
0x24: {  	s19 =	sshll.u32 s18, $0xA  }
0x25: {  	s19 =	sand.u32 $0x3FFFFC00, s19  }
0x26: {  	s19 =	sadd.s32 s19, s14  }
0x27: {  	v5 =	vld.idx.msk [tilespmem:v0+s19+$0x70 ss:$0x1], $0xffff  }
0x28: {  	v6 =	vld.idx.msk [tilespmem:v0+s19+$0x10 ss:$0x1], $0xffff  }
0x29: {  	v7 =	vld.idx.msk [tilespmem:v0+s19+$0x20 ss:$0x1], $0xffff  }
0x2a: {  	s31 =	sshll.u32 s18, $0x7;
	v1 =	vld.idx.msk [tilespmem:v0+s19+$0x30 ss:$0x1], $0xffff  }
0x2b: {  	s18 =	sand.u32 $0x3FFFFF80, s31;
	v2 =	vld.idx.msk [tilespmem:v0+s19+$0x40 ss:$0x1], $0xffff  }
0x2c: {  	s18 =	sadd.s32 s18, s15;
	v3 =	vld.idx.msk [tilespmem:v0+s19+$0x50 ss:$0x1], $0xffff  }
0x2d: {  	v4 =	vld.idx.msk [tilespmem:v0+s19+$0x60 ss:$0x1], $0xffff;
	[tilespmem:v0+s18+$0x70 ss:$0x1] =	vst.idx.msk $0xffff, v5  }
0x2e: {  	v5 =	vld.idx.msk [tilespmem:v0+s19+$0x0 ss:$0x1], $0xffff;
	[tilespmem:v0+s18+$0x10 ss:$0x1] =	vst.idx.msk $0xffff, v6;
	s19 =	sadd.s32 $0x80, s19  }
0x2f: {  	p0 =	por p1, p1;
	s20 =	simm.s32 $0x6;
	[tilespmem:v0+s18+$0x20 ss:$0x1] =	vst.idx.msk $0xffff, v7;
	v6 =	vld.idx.msk [tilespmem:v0+s19+$0x70 ss:$0x1], $0xffff  }
.LBB1_5:
0x30: {  	p1 =	sne.s32 s20, $0x1;
	v7 =	vld.idx.msk [tilespmem:v0+s19+$0x10 ss:$0x1], $0xffff;
	[tilespmem:v0+s18+$0x30 ss:$0x1] =	vst.idx.msk $0xffff, v1  }
0x31: {  	v8 =	vld.idx.msk [tilespmem:v0+s19+$0x20 ss:$0x1], $0xffff;
	[tilespmem:v0+s18+$0x40 ss:$0x1] =	vst.idx.msk $0xffff, v2  }
0x32: {  	v1 =	vld.idx.msk [tilespmem:v0+s19+$0x30 ss:$0x1], $0xffff;
	[tilespmem:v0+s18+$0x50 ss:$0x1] =	vst.idx.msk $0xffff, v3  }
.Ltmp3:
0x33: {  	v2 =	vld.idx.msk [tilespmem:v0+s19+$0x40 ss:$0x1], $0xffff;
	[tilespmem:v0+s18+$0x60 ss:$0x1] =	vst.idx.msk $0xffff, v4;
	(pc) =	sbr.rel @p1 .LBB1_5-.Ltmp3, $4  }
0x34: {  	v3 =	vld.idx.msk [tilespmem:v0+s19+$0x50 ss:$0x1], $0xffff;
	[tilespmem:v0+s18+$0x0 ss:$0x1] =	vst.idx.msk $0xffff, v5;
	s18 =	sadd.s32 $0x100, s18  }
0x35: {  	v4 =	vld.idx.msk [tilespmem:v0+s19+$0x60 ss:$0x1], $0xffff;
	[tilespmem:v0+s18+$0x70 ss:$0x1] =	vst.idx.msk $0xffff, v6  }
0x36: {  	v5 =	vld.idx.msk [tilespmem:v0+s19+$0x0 ss:$0x1], $0xffff;
	[tilespmem:v0+s18+$0x10 ss:$0x1] =	vst.idx.msk $0xffff, v7;
	s19 =	sadd.s32 $0x80, s19  }
0x37: {  	s20 =	sadd.s32 $0xFFFFFFFF, s20;
	v6 =	vld.idx.msk [tilespmem:v0+s19+$0x70 ss:$0x1], $0xffff;
	[tilespmem:v0+s18+$0x20 ss:$0x1] =	vst.idx.msk $0xffff, v8  }
0x38: {  	_ =	sdelay $0x3  }
0x39: {  	[tilespmem:v0+s18+$0x30 ss:$0x1] =	vst.idx.msk $0xffff, v1  }
0x3a: {  	v1 =	vld.idx.msk [tilespmem:v0+s19+$0x10 ss:$0x1], $0xffff;
	[tilespmem:v0+s18+$0x40 ss:$0x1] =	vst.idx.msk $0xffff, v2  }
0x3b: {  	v2 =	vld.idx.msk [tilespmem:v0+s19+$0x20 ss:$0x1], $0xffff;
	[tilespmem:v0+s18+$0x50 ss:$0x1] =	vst.idx.msk $0xffff, v3  }
0x3c: {  	v61 =	vld.idx.msk [tilespmem:v0+s19+$0x40 ss:$0x1], $0xffff;
	[tilespmem:v0+s18+$0x60 ss:$0x1] =	vst.idx.msk $0xffff, v4  }
0x3d: {  	s31 =	sadd.s32 $0x100, s18;
	v62 =	vld.idx.msk [tilespmem:v0+s19+$0x50 ss:$0x1], $0xffff;
	[tilespmem:v0+s18+$0x0 ss:$0x1] =	vst.idx.msk $0xffff, v5  }
0x3e: {  	v63 =	vld.idx.msk [tilespmem:v0+s19+$0x60 ss:$0x1], $0xffff;
	[tilespmem:v0+s31+$0x70 ss:$0x1] =	vst.idx.msk $0xffff, v6  }
0x3f: {  	v3 =	vld.idx.msk [tilespmem:v0+s19+$0x30 ss:$0x1], $0xffff;
	[tilespmem:v0+s31+$0x10 ss:$0x1] =	vst.idx.msk $0xffff, v1  }
0x40: {  	v1 =	vld.idx.msk [tilespmem:v0+s19+$0x0 ss:$0x1], $0xffff;
	[tilespmem:v0+s31+$0x20 ss:$0x1] =	vst.idx.msk $0xffff, v2  }
.Ltmp4:
0x41: {  	[tilespmem:v0+s31+$0x40 ss:$0x1] =	vst.idx.msk $0xffff, v61;
	(pc) =	sbr.rel @p0 .LBB1_4-.Ltmp4, $4  }
0x42: {  	[tilespmem:v0+s31+$0x50 ss:$0x1] =	vst.idx.msk $0xffff, v62  }
0x43: {  	[tilespmem:v0+s31+$0x60 ss:$0x1] =	vst.idx.msk $0xffff, v63  }
0x44: {  	[tilespmem:v0+s31+$0x30 ss:$0x1] =	vst.idx.msk $0xffff, v3  }
0x45: {  	p1 =	por $0x0, $0x0;
	s18 =	simm.s32 $0x1;
	[tilespmem:v0+s31+$0x0 ss:$0x1] =	vst.idx.msk $0xffff, v1  }
0x46: {  	s17 =	sadd.s32 $0x1, s17  }
0x47: {  	p0 =	sne.s32 s17, $0x8  }
.Ltmp5:
0x48: {  	_ = 	snop;
	(pc) =	sbr.rel @p0 .LBB1_3-.Ltmp5, $2  }
0x49: {  	_ =	sdelay $0x2  }
0x4a: {  	s16 =	sadd.s32 $0x2000, s16  }
.Ltmp6:
0x4b: {  	(pc) =	sbr.rel .LBB1_9-.Ltmp6, $4  }
0x4c: {  	_ = 	snop  }
0x4d: {  	s12 =	sshll.u32 s12, $0x8  }
0x4e: {  	s12 =	sadd.s32 s4, s12  }
0x4f: {  	[hbm4b:s12+s8] =	stream.linear.scatter [tilespmem:s13], [sflag:$0x2], $0x4000, $0x38;
	[tilespmem:$0x10000] =	vst v63  }
.LBB1_10:
0x50: {  	_ =	sfence.sel $0x180000  }
0x51: {  	s2 =	simm.s32 $0x1;
	[bflag:$0x0] =	sbarrier.arrive $0xFFFF  }
0x52: {  	s31 =	simm.s32 $0x2;
	[sflag:s2] =	ssyncpa.u1 $0x1  }
0x53: {  	[sflag:s31] =	ssyncpa.u1 $0x1  }
0x54: {  	p0 =	sne.s32 s0, $0x0;
	_ =	strace $0x90000047  }
0x55: {  	s0 =	sadd.s32 @!p0 $0x100000, s1;
	[bflag:$0x2] =	sbarrier.arrive $0xFFFF  }
0x56: {  	[sflag:s0] =	ssyncadd.tile.s32 @!p0 $0x1;
	_ =	shalt  }
.Lfunc_end1:
_tile_overlayer_lowered:
.L_overlay_start_2:
0x57: {  	(tag) =	ssettag $0x2  }
0x58: {  	s0 =	rddreg [dreg:$0x0];
	s2 =	stileid.u32  }
0x59: {  	s1 =	rddreg [dreg:$0x1];
	p0 =	sne.s32 s2, $0x0  }
0x5a: {  	s3 =	rddreg [dreg:$0x2];
	[bflag:$0x3] =	sbarrier.arrive $0xFFFF;
	s2 =	simm.s32 @!p0 $0x1C01  }
0x5b: {  	[timem:s3], [sflag:s2] =	dma.local @!p0 [hbm:s0], s1  }
0x5c: {  	s0 =	simm.s32 @!p0 $0x1  }
0x5d: {  	_ =	swait.ge @!p0 [sflag:s0], s1  }
0x5e: {  	s1 =	ssub.s32 @!p0 $0x0, s1;
	[sflag:s0] =	ssyncset.done @!p0 $0x0  }
0x5f: {  	[sflag:s0] =	ssyncadd.s32 @!p0 s1  }
0x60: {  	[bflag:$0x3] =	sbarrier.arrive $0xFFFF  }
0x61: {  	_ =	shalt  }

</sc_bundles>
